<compile_context>
chip_gen: v7x
topology: tpu7x:2x2x1
jax: 0.10.2.dev20260603
libtpu: 0.0.44.dev20260713+nightly
codegen_flags: <defaults>
</compile_context>

<pallas_src>
import functools

import jax
import jax.numpy as jnp
from jax import lax
from jax.experimental import pallas as pl
from jax.experimental.pallas import tpu as pltpu
from jax.experimental.pallas import tpu_sc as plsc

N_COLS = 26
VOCAB = 100000
B = 16384
SUB = 32
HID = 256
ENT = 16

GW = 128
DW = N_COLS * GW
NC = 2
NS = 16
NW = NC * NS

RB = 512
SUBCH = RB // 128
RBLOCKS = B // RB
TOTAL_CHUNKS = N_COLS * RBLOCKS
CHUNKS_PER_W = TOTAL_CHUNKS // NW


def _sc_gather(tg, idx3d):
    mesh = plsc.VectorSubcoreMesh(core_axis_name="c", subcore_axis_name="s")

    @functools.partial(
        pl.kernel,
        out_type=jax.ShapeDtypeStruct((B, DW), jnp.float32),
        mesh=mesh,
        scratch_types=[
            pltpu.VMEM((SUBCH, 128), jnp.int32),
            pltpu.VMEM((RB, GW), jnp.float32),
            pltpu.SemaphoreType.DMA,
        ],
    )
    def gather_kernel(tg_hbm, idx_hbm, out_hbm, idx_v, rows_v, sem):
        wid = lax.axis_index("s") * NC + lax.axis_index("c")

        def body(i, carry):
            k = wid * CHUNKS_PER_W + i
            c = k // RBLOCKS
            rb = k % RBLOCKS
            pltpu.sync_copy(idx_hbm.at[k], idx_v)
            copies = [
                pltpu.async_copy(
                    tg_hbm.at[idx_v.at[j]],
                    rows_v.at[pl.ds(j * 128, 128), :],
                    sem,
                )
                for j in range(SUBCH)
            ]
            for cp in copies:
                cp.wait()
            pltpu.sync_copy(
                rows_v,
                out_hbm.at[pl.ds(rb * RB, RB), pl.ds(c * GW, GW)],
            )
            return carry

        lax.fori_loop(0, CHUNKS_PER_W, body, 0)

    return gather_kernel(tg, idx3d)


def _tc_mlp(wide, W1pad, b1, W2, b2, W3, b3):
    BLK = 1024

    def body(wide_ref, w1_ref, b1_ref, w2_ref, b2_ref, w3_ref, b3_ref,
             out_ref):
        w = wide_ref[...].astype(jnp.bfloat16)
        h = jnp.dot(w, w1_ref[...], preferred_element_type=jnp.float32)
        h = jnp.maximum(h + b1_ref[...], 0.0)
        h = jnp.dot(h, w2_ref[...], preferred_element_type=jnp.float32)
        h = jnp.maximum(h + b2_ref[...], 0.0)
        out_ref[...] = (
            jnp.dot(h, w3_ref[...], preferred_element_type=jnp.float32) + b3_ref[...]
        )

    return pl.pallas_call(
        body,
        grid=(B // BLK,),
        in_specs=[
            pl.BlockSpec((BLK, DW), lambda i: (i, 0)),
            pl.BlockSpec((DW, HID), lambda i: (0, 0)),
            pl.BlockSpec((1, HID), lambda i: (0, 0)),
            pl.BlockSpec((HID, ENT), lambda i: (0, 0)),
            pl.BlockSpec((1, ENT), lambda i: (0, 0)),
            pl.BlockSpec((ENT, ENT), lambda i: (0, 0)),
            pl.BlockSpec((1, ENT), lambda i: (0, 0)),
        ],
        out_specs=pl.BlockSpec((BLK, ENT), lambda i: (i, 0)),
        out_shape=jax.ShapeDtypeStruct((B, ENT), jnp.float32),
    )(wide, W1pad, b1.reshape(1, HID), W2, b2.reshape(1, ENT), W3,
      b3.reshape(1, ENT))


def kernel(col_0, col_1, col_2, col_3, col_4, col_5, col_6, col_7, col_8,
           col_9, col_10, col_11, col_12, col_13, col_14, col_15, col_16,
           col_17, col_18, col_19, col_20, col_21, col_22, col_23, col_24,
           col_25, tables, W1, b1, W2, b2, W3, b3):
    cols = jnp.stack([col_0, col_1, col_2, col_3, col_4, col_5, col_6, col_7,
                      col_8, col_9, col_10, col_11, col_12, col_13, col_14,
                      col_15, col_16, col_17, col_18, col_19, col_20, col_21,
                      col_22, col_23, col_24, col_25]).astype(jnp.int32)
    offs = (jnp.arange(N_COLS, dtype=jnp.int32) * VOCAB)[:, None]
    idx3d = (cols + offs).reshape(TOTAL_CHUNKS, SUBCH, 128)
    tflat = jnp.pad(tables, ((0, 0), (0, 0), (0, GW - SUB))).reshape(
        N_COLS * VOCAB, GW)
    W1pad = jnp.pad(
        W1.reshape(N_COLS, SUB, HID), ((0, 0), (0, GW - SUB), (0, 0))
    ).reshape(DW, HID).astype(jnp.bfloat16)
    wide = _sc_gather(tflat, idx3d)
    return _tc_mlp(wide, W1pad, b1, W2, b2, W3, b3)

# --- scband reference (transcript-rebuilt; emitter-appended) ---
"""Pipeline reference for scband-entity-encoder-26654567039183 (READ-ONLY COPY).

The authoritative reference and input builder live on the scoring server;
editing this copy changes nothing except your own understanding.
"""

import jax, jax.numpy as jnp
import numpy as np

N_COLS = 26
VOCAB = 100000
B = 16384
SUB = 32
HID = 256
ENT = 16


def setup_inputs(seed: int = 0) -> dict:
    key = jax.random.key(seed)
    inp = {}
    for i in range(N_COLS):
        inp[f"col_{i}"] = jax.random.randint(jax.random.fold_in(key, i), (B,), 0, VOCAB, dtype=jnp.int64 if jax.config.jax_enable_x64 else jnp.int32)
    ks = jax.random.split(jax.random.fold_in(key, 1000), 8)
    entity_dim = N_COLS * SUB
    inp["tables"] = jax.random.normal(ks[0], (N_COLS, VOCAB, SUB), dtype=jnp.float32) * 0.05
    inp["W1"] = jax.random.normal(ks[1], (entity_dim, HID), dtype=jnp.float32) * 0.02
    inp["b1"] = jnp.zeros((HID,), dtype=jnp.float32)
    inp["W2"] = jax.random.normal(ks[2], (HID, ENT), dtype=jnp.float32) * 0.02
    inp["b2"] = jnp.zeros((ENT,), dtype=jnp.float32)
    inp["W3"] = jax.random.normal(ks[3], (ENT, ENT), dtype=jnp.float32) * 0.02
    inp["b3"] = jnp.zeros((ENT,), dtype=jnp.float32)
    return inp


def reference(col_0, col_1, col_2, col_3, col_4, col_5, col_6, col_7, col_8,
              col_9, col_10, col_11, col_12, col_13, col_14, col_15, col_16,
              col_17, col_18, col_19, col_20, col_21, col_22, col_23, col_24,
              col_25, tables, W1, b1, W2, b2, W3, b3) -> jnp.ndarray:
    cols = [col_0, col_1, col_2, col_3, col_4, col_5, col_6, col_7, col_8,
            col_9, col_10, col_11, col_12, col_13, col_14, col_15, col_16,
            col_17, col_18, col_19, col_20, col_21, col_22, col_23, col_24,
            col_25]
    # per-column embedding gather, then concat along feature dim
    emb = jnp.concatenate([jnp.take(tables[i], cols[i], axis=0) for i in range(N_COLS)], axis=1)
    # entity_encoder MLP (dropout is identity in eval mode)
    h = jax.nn.relu(emb @ W1 + b1)
    h = jax.nn.relu(h @ W2 + b2)
    out = h @ W3 + b3
    return out

if __name__ == "__main__":
    import jax
    _d = setup_inputs()
    print(jax.jit(kernel)(*tuple(_d.values())))

</pallas_src>

<mosaic_0001>
#map = affine_map<(d0, d1) -> (0, 0)>
#map1 = affine_map<(d0, d1) -> (0, 0, 0)>
module attributes {stable_mosaic.version = 14 : i64} {
  func.func @gather_kernel(%arg0: i32, %arg1: i32, %arg2: memref<2600000x128xf32, #tpu.memory_space<hbm>>, %arg3: memref<832x4x128xi32, #tpu.memory_space<hbm>>, %arg4: memref<16384x3328xf32, #tpu.memory_space<hbm>>, %arg5: memref<4x128xi32, #tpu.memory_space<vmem>>, %arg6: memref<512x128xf32, #tpu.memory_space<vmem>>, %arg7: memref<!tpu.dma_semaphore, #tpu.memory_space<semaphore_mem>>) attributes {dimension_semantics = [#tpu.dimension_semantics<core_parallel>, #tpu.dimension_semantics<subcore_parallel>], iteration_bounds = array<i64: 2, 16>, scalar_prefetch = 0 : i64, scratch_operands = 3 : i64, tpu.core_type = #tpu.core_type<sc_vector_subcore>, window_params = [{transform_indices = #map}, {transform_indices = #map1}, {transform_indices = #map}]} {
    %mul3A = arith.constant 2 : i32
    %mul3A_0 = arith.muli %arg1, %mul3A : i32
    %add3A = arith.addi %mul3A_0, %arg0 : i32
    %scan3A = arith.constant 0 : i32
    %scan3A_1 = arith.constant 0 : i32
    %scan3A_2 = arith.constant 26 : i32
    %scan3A_3 = arith.addi %scan3A_1, %scan3A_2 : i32
    %scan3A_4 = arith.constant 1 : i32
    scf.for %scan3A_6 = %scan3A_1 to %scan3A_3 step %scan3A_4  : i32 {
      %mul3A_7 = arith.constant 26 : i32
      %mul3A_8 = arith.muli %add3A, %mul3A_7 : i32
      %add3A_9 = arith.addi %mul3A_8, %scan3A_6 : i32
      %jit3A = arith.constant 32 : i32
      %div3A = arith.divsi %add3A_9, %jit3A : i32
      %sign3A = arith.constant 0 : i32
      %sign3A_10 = arith.cmpi sgt, %add3A_9, %sign3A : i32
      %sign3A_11 = arith.extui %sign3A_10 : i1 to i32
      %sign3A_12 = arith.constant 0 : i32
      %sign3A_13 = arith.cmpi slt, %add3A_9, %sign3A_12 : i32
      %sign3A_14 = arith.extui %sign3A_13 : i1 to i32
      %sign3A_15 = arith.subi %sign3A_11, %sign3A_14 : i32
      %sign3A_16 = arith.constant 0 : i32
      %sign3A_17 = arith.cmpi sgt, %jit3A, %sign3A_16 : i32
      %sign3A_18 = arith.extui %sign3A_17 : i1 to i32
      %sign3A_19 = arith.constant 0 : i32
      %sign3A_20 = arith.cmpi slt, %jit3A, %sign3A_19 : i32
      %sign3A_21 = arith.extui %sign3A_20 : i1 to i32
      %sign3A_22 = arith.subi %sign3A_18, %sign3A_21 : i32
      %ne3A = arith.cmpi ne, %sign3A_15, %sign3A_22 : i32
      %rem3A = arith.remsi %add3A_9, %jit3A : i32
      %ne3A_23 = arith.constant 0 : i32
      %ne3A_24 = arith.cmpi ne, %rem3A, %ne3A_23 : i32
      %and3A = arith.andi %ne3A, %ne3A_24 : i1
      %sub3A = arith.constant 1 : i32
      %sub3A_25 = arith.subi %div3A, %sub3A : i32
      %select_n3A = arith.select %and3A, %sub3A_25, %div3A : i32
      %jit3A_26 = arith.constant 32 : i32
      %eq3A = arith.constant 0 : i32
      %eq3A_27 = arith.cmpi eq, %jit3A_26, %eq3A : i32
      %jit3A_28 = arith.constant 1 : i32
      %select_n3A_29 = arith.select %eq3A_27, %jit3A_28, %jit3A_26 : i32
      %rem3A_30 = arith.remsi %add3A_9, %select_n3A_29 : i32
      %ne3A_31 = arith.constant 0 : i32
      %ne3A_32 = arith.cmpi ne, %rem3A_30, %ne3A_31 : i32
      %lt3A = arith.constant 0 : i32
      %lt3A_33 = arith.cmpi slt, %rem3A_30, %lt3A : i32
      %lt3A_34 = arith.constant 0 : i32
      %lt3A_35 = arith.cmpi slt, %select_n3A_29, %lt3A_34 : i32
      %ne3A_36 = arith.xori %lt3A_33, %lt3A_35 : i1
      %and3A_37 = arith.andi %ne3A_36, %ne3A_32 : i1
      %add3A_38 = arith.addi %rem3A_30, %select_n3A_29 : i32
      %select_n3A_39 = arith.select %and3A_37, %add3A_38, %rem3A_30 : i32
      "tpu.region"() ({
        %run_scoped3A = tpu.sem_alloc : memref<!tpu.dma_semaphore, #tpu.memory_space<semaphore_mem>>
        %dma_start3A_122 = arith.constant 0 : i32
        %dma_start3A_123 = arith.constant 0 : i32
        %dma_start3A_124 = tpu.memref_slice %arg3[%add3A_9, %dma_start3A_122, %dma_start3A_123] : memref<832x4x128xi32, #tpu.memory_space<hbm>> -> memref<1x4x128xi32, #tpu.memory_space<hbm>>
        %dma_start3A_125 = tpu.memref_squeeze %dma_start3A_124 : memref<1x4x128xi32, #tpu.memory_space<hbm>> -> memref<4x128xi32, #tpu.memory_space<hbm>>
        %dma_start3A_126 = arith.constant 0 : i32
        %dma_start3A_127 = arith.constant 0 : i32
        %dma_start3A_128 = tpu.memref_slice %arg3[%add3A_9, %dma_start3A_126, %dma_start3A_127] : memref<832x4x128xi32, #tpu.memory_space<hbm>> -> memref<1x4x128xi32, #tpu.memory_space<hbm>>
        %dma_start3A_129 = tpu.memref_squeeze %dma_start3A_128 : memref<1x4x128xi32, #tpu.memory_space<hbm>> -> memref<4x128xi32, #tpu.memory_space<hbm>>
        tpu.enqueue_dma source(%dma_start3A_129 : memref<4x128xi32, #tpu.memory_space<hbm>>) target(%arg5 : memref<4x128xi32, #tpu.memory_space<vmem>>) target_semaphore(%run_scoped3A : memref<!tpu.dma_semaphore, #tpu.memory_space<semaphore_mem>>)
        %dma_wait3A_130 = arith.constant 0 : i32
        %dma_wait3A_131 = arith.constant 0 : i32
        %dma_wait3A_132 = tpu.memref_slice %arg3[%add3A_9, %dma_wait3A_130, %dma_wait3A_131] : memref<832x4x128xi32, #tpu.memory_space<hbm>> -> memref<1x4x128xi32, #tpu.memory_space<hbm>>
        %dma_wait3A_133 = tpu.memref_squeeze %dma_wait3A_132 : memref<1x4x128xi32, #tpu.memory_space<hbm>> -> memref<4x128xi32, #tpu.memory_space<hbm>>
        %dma_wait3A_134 = arith.constant 0 : i32
        %dma_wait3A_135 = arith.constant 0 : i32
        %dma_wait3A_136 = tpu.memref_slice %arg3[%add3A_9, %dma_wait3A_134, %dma_wait3A_135] : memref<832x4x128xi32, #tpu.memory_space<hbm>> -> memref<1x4x128xi32, #tpu.memory_space<hbm>>
        %dma_wait3A_137 = tpu.memref_squeeze %dma_wait3A_136 : memref<1x4x128xi32, #tpu.memory_space<hbm>> -> memref<4x128xi32, #tpu.memory_space<hbm>>
        tpu.wait_dma2 semaphore(%run_scoped3A : memref<!tpu.dma_semaphore, #tpu.memory_space<semaphore_mem>>) src(%dma_wait3A_137 : memref<4x128xi32, #tpu.memory_space<hbm>>) dst(%arg5 : memref<4x128xi32, #tpu.memory_space<vmem>>)
        tpu.yield
      }) : () -> ()
      %dma_start3A = arith.constant 0 : i32
      %dma_start3A_40 = arith.constant 0 : i32
      %dma_start3A_41 = arith.constant 0 : i32
      %dma_start3A_42 = tpu.memref_slice %arg6[%dma_start3A_40, %dma_start3A_41] : memref<512x128xf32, #tpu.memory_space<vmem>> -> memref<128x128xf32, #tpu.memory_space<vmem>>
      %dma_start3A_43 = arith.constant 0 : i32
      %dma_start3A_44 = tpu.memref_slice %arg5[%dma_start3A, %dma_start3A_43] : memref<4x128xi32, #tpu.memory_space<vmem>> -> memref<1x128xi32, #tpu.memory_space<vmem>>
      %dma_start3A_45 = tpu.memref_squeeze %dma_start3A_44 : memref<1x128xi32, #tpu.memory_space<vmem>> -> memref<128xi32, #tpu.memory_space<vmem>>
      %dma_start3A_46 = arith.constant 0 : i32
      %dma_start3A_47 = arith.constant 0 : i32
      %dma_start3A_48 = tpu.memref_slice %arg2[%dma_start3A_46, %dma_start3A_47] : memref<2600000x128xf32, #tpu.memory_space<hbm>> -> memref<2600000x128xf32, #tpu.memory_space<hbm>>
      tpu.enqueue_indirect_dma source(%dma_start3A_48 : memref<2600000x128xf32, #tpu.memory_space<hbm>>) target(%dma_start3A_42 : memref<128x128xf32, #tpu.memory_space<vmem>>) offsets(%dma_start3A_45 : memref<128xi32, #tpu.memory_space<vmem>>) semaphore(%arg7 : memref<!tpu.dma_semaphore, #tpu.memory_space<semaphore_mem>>)
      %dma_start3A_49 = arith.constant 1 : i32
      %dma_start3A_50 = arith.constant 128 : i32
      %dma_start3A_51 = arith.constant 0 : i32
      %dma_start3A_52 = tpu.memref_slice %arg6[%dma_start3A_50, %dma_start3A_51] : memref<512x128xf32, #tpu.memory_space<vmem>> -> memref<128x128xf32, #tpu.memory_space<vmem>>
      %dma_start3A_53 = arith.constant 0 : i32
      %dma_start3A_54 = tpu.memref_slice %arg5[%dma_start3A_49, %dma_start3A_53] : memref<4x128xi32, #tpu.memory_space<vmem>> -> memref<1x128xi32, #tpu.memory_space<vmem>>
      %dma_start3A_55 = tpu.memref_squeeze %dma_start3A_54 : memref<1x128xi32, #tpu.memory_space<vmem>> -> memref<128xi32, #tpu.memory_space<vmem>>
      %dma_start3A_56 = arith.constant 0 : i32
      %dma_start3A_57 = arith.constant 0 : i32
      %dma_start3A_58 = tpu.memref_slice %arg2[%dma_start3A_56, %dma_start3A_57] : memref<2600000x128xf32, #tpu.memory_space<hbm>> -> memref<2600000x128xf32, #tpu.memory_space<hbm>>
      tpu.enqueue_indirect_dma source(%dma_start3A_58 : memref<2600000x128xf32, #tpu.memory_space<hbm>>) target(%dma_start3A_52 : memref<128x128xf32, #tpu.memory_space<vmem>>) offsets(%dma_start3A_55 : memref<128xi32, #tpu.memory_space<vmem>>) semaphore(%arg7 : memref<!tpu.dma_semaphore, #tpu.memory_space<semaphore_mem>>)
      %dma_start3A_59 = arith.constant 2 : i32
      %dma_start3A_60 = arith.constant 256 : i32
      %dma_start3A_61 = arith.constant 0 : i32
      %dma_start3A_62 = tpu.memref_slice %arg6[%dma_start3A_60, %dma_start3A_61] : memref<512x128xf32, #tpu.memory_space<vmem>> -> memref<128x128xf32, #tpu.memory_space<vmem>>
      %dma_start3A_63 = arith.constant 0 : i32
      %dma_start3A_64 = tpu.memref_slice %arg5[%dma_start3A_59, %dma_start3A_63] : memref<4x128xi32, #tpu.memory_space<vmem>> -> memref<1x128xi32, #tpu.memory_space<vmem>>
      %dma_start3A_65 = tpu.memref_squeeze %dma_start3A_64 : memref<1x128xi32, #tpu.memory_space<vmem>> -> memref<128xi32, #tpu.memory_space<vmem>>
      %dma_start3A_66 = arith.constant 0 : i32
      %dma_start3A_67 = arith.constant 0 : i32
      %dma_start3A_68 = tpu.memref_slice %arg2[%dma_start3A_66, %dma_start3A_67] : memref<2600000x128xf32, #tpu.memory_space<hbm>> -> memref<2600000x128xf32, #tpu.memory_space<hbm>>
      tpu.enqueue_indirect_dma source(%dma_start3A_68 : memref<2600000x128xf32, #tpu.memory_space<hbm>>) target(%dma_start3A_62 : memref<128x128xf32, #tpu.memory_space<vmem>>) offsets(%dma_start3A_65 : memref<128xi32, #tpu.memory_space<vmem>>) semaphore(%arg7 : memref<!tpu.dma_semaphore, #tpu.memory_space<semaphore_mem>>)
      %dma_start3A_69 = arith.constant 3 : i32
      %dma_start3A_70 = arith.constant 384 : i32
      %dma_start3A_71 = arith.constant 0 : i32
      %dma_start3A_72 = tpu.memref_slice %arg6[%dma_start3A_70, %dma_start3A_71] : memref<512x128xf32, #tpu.memory_space<vmem>> -> memref<128x128xf32, #tpu.memory_space<vmem>>
      %dma_start3A_73 = arith.constant 0 : i32
      %dma_start3A_74 = tpu.memref_slice %arg5[%dma_start3A_69, %dma_start3A_73] : memref<4x128xi32, #tpu.memory_space<vmem>> -> memref<1x128xi32, #tpu.memory_space<vmem>>
      %dma_start3A_75 = tpu.memref_squeeze %dma_start3A_74 : memref<1x128xi32, #tpu.memory_space<vmem>> -> memref<128xi32, #tpu.memory_space<vmem>>
      %dma_start3A_76 = arith.constant 0 : i32
      %dma_start3A_77 = arith.constant 0 : i32
      %dma_start3A_78 = tpu.memref_slice %arg2[%dma_start3A_76, %dma_start3A_77] : memref<2600000x128xf32, #tpu.memory_space<hbm>> -> memref<2600000x128xf32, #tpu.memory_space<hbm>>
      tpu.enqueue_indirect_dma source(%dma_start3A_78 : memref<2600000x128xf32, #tpu.memory_space<hbm>>) target(%dma_start3A_72 : memref<128x128xf32, #tpu.memory_space<vmem>>) offsets(%dma_start3A_75 : memref<128xi32, #tpu.memory_space<vmem>>) semaphore(%arg7 : memref<!tpu.dma_semaphore, #tpu.memory_space<semaphore_mem>>)
      %dma_wait3A = arith.constant 0 : i32
      %dma_wait3A_79 = arith.constant 0 : i32
      %dma_wait3A_80 = arith.constant 0 : i32
      %dma_wait3A_81 = tpu.memref_slice %arg6[%dma_wait3A_79, %dma_wait3A_80] : memref<512x128xf32, #tpu.memory_space<vmem>> -> memref<128x128xf32, #tpu.memory_space<vmem>>
      %dma_wait3A_82 = arith.constant 0 : i32
      %dma_wait3A_83 = tpu.memref_slice %arg5[%dma_wait3A, %dma_wait3A_82] : memref<4x128xi32, #tpu.memory_space<vmem>> -> memref<1x128xi32, #tpu.memory_space<vmem>>
      %dma_wait3A_84 = tpu.memref_squeeze %dma_wait3A_83 : memref<1x128xi32, #tpu.memory_space<vmem>> -> memref<128xi32, #tpu.memory_space<vmem>>
      %dma_wait3A_85 = arith.constant 0 : i32
      %dma_wait3A_86 = arith.constant 0 : i32
      %dma_wait3A_87 = tpu.memref_slice %arg2[%dma_wait3A_85, %dma_wait3A_86] : memref<2600000x128xf32, #tpu.memory_space<hbm>> -> memref<2600000x128xf32, #tpu.memory_space<hbm>>
      tpu.wait_indirect_dma semaphore(%arg7 : memref<!tpu.dma_semaphore, #tpu.memory_space<semaphore_mem>>) src(%dma_wait3A_87 : memref<2600000x128xf32, #tpu.memory_space<hbm>>) dst(%dma_wait3A_81 : memref<128x128xf32, #tpu.memory_space<vmem>>)
      %dma_wait3A_88 = arith.constant 1 : i32
      %dma_wait3A_89 = arith.constant 128 : i32
      %dma_wait3A_90 = arith.constant 0 : i32
      %dma_wait3A_91 = tpu.memref_slice %arg6[%dma_wait3A_89, %dma_wait3A_90] : memref<512x128xf32, #tpu.memory_space<vmem>> -> memref<128x128xf32, #tpu.memory_space<vmem>>
      %dma_wait3A_92 = arith.constant 0 : i32
      %dma_wait3A_93 = tpu.memref_slice %arg5[%dma_wait3A_88, %dma_wait3A_92] : memref<4x128xi32, #tpu.memory_space<vmem>> -> memref<1x128xi32, #tpu.memory_space<vmem>>
      %dma_wait3A_94 = tpu.memref_squeeze %dma_wait3A_93 : memref<1x128xi32, #tpu.memory_space<vmem>> -> memref<128xi32, #tpu.memory_space<vmem>>
      %dma_wait3A_95 = arith.constant 0 : i32
      %dma_wait3A_96 = arith.constant 0 : i32
      %dma_wait3A_97 = tpu.memref_slice %arg2[%dma_wait3A_95, %dma_wait3A_96] : memref<2600000x128xf32, #tpu.memory_space<hbm>> -> memref<2600000x128xf32, #tpu.memory_space<hbm>>
      tpu.wait_indirect_dma semaphore(%arg7 : memref<!tpu.dma_semaphore, #tpu.memory_space<semaphore_mem>>) src(%dma_wait3A_97 : memref<2600000x128xf32, #tpu.memory_space<hbm>>) dst(%dma_wait3A_91 : memref<128x128xf32, #tpu.memory_space<vmem>>)
      %dma_wait3A_98 = arith.constant 2 : i32
      %dma_wait3A_99 = arith.constant 256 : i32
      %dma_wait3A_100 = arith.constant 0 : i32
      %dma_wait3A_101 = tpu.memref_slice %arg6[%dma_wait3A_99, %dma_wait3A_100] : memref<512x128xf32, #tpu.memory_space<vmem>> -> memref<128x128xf32, #tpu.memory_space<vmem>>
      %dma_wait3A_102 = arith.constant 0 : i32
      %dma_wait3A_103 = tpu.memref_slice %arg5[%dma_wait3A_98, %dma_wait3A_102] : memref<4x128xi32, #tpu.memory_space<vmem>> -> memref<1x128xi32, #tpu.memory_space<vmem>>
      %dma_wait3A_104 = tpu.memref_squeeze %dma_wait3A_103 : memref<1x128xi32, #tpu.memory_space<vmem>> -> memref<128xi32, #tpu.memory_space<vmem>>
      %dma_wait3A_105 = arith.constant 0 : i32
      %dma_wait3A_106 = arith.constant 0 : i32
      %dma_wait3A_107 = tpu.memref_slice %arg2[%dma_wait3A_105, %dma_wait3A_106] : memref<2600000x128xf32, #tpu.memory_space<hbm>> -> memref<2600000x128xf32, #tpu.memory_space<hbm>>
      tpu.wait_indirect_dma semaphore(%arg7 : memref<!tpu.dma_semaphore, #tpu.memory_space<semaphore_mem>>) src(%dma_wait3A_107 : memref<2600000x128xf32, #tpu.memory_space<hbm>>) dst(%dma_wait3A_101 : memref<128x128xf32, #tpu.memory_space<vmem>>)
      %dma_wait3A_108 = arith.constant 3 : i32
      %dma_wait3A_109 = arith.constant 384 : i32
      %dma_wait3A_110 = arith.constant 0 : i32
      %dma_wait3A_111 = tpu.memref_slice %arg6[%dma_wait3A_109, %dma_wait3A_110] : memref<512x128xf32, #tpu.memory_space<vmem>> -> memref<128x128xf32, #tpu.memory_space<vmem>>
      %dma_wait3A_112 = arith.constant 0 : i32
      %dma_wait3A_113 = tpu.memref_slice %arg5[%dma_wait3A_108, %dma_wait3A_112] : memref<4x128xi32, #tpu.memory_space<vmem>> -> memref<1x128xi32, #tpu.memory_space<vmem>>
      %dma_wait3A_114 = tpu.memref_squeeze %dma_wait3A_113 : memref<1x128xi32, #tpu.memory_space<vmem>> -> memref<128xi32, #tpu.memory_space<vmem>>
      %dma_wait3A_115 = arith.constant 0 : i32
      %dma_wait3A_116 = arith.constant 0 : i32
      %dma_wait3A_117 = tpu.memref_slice %arg2[%dma_wait3A_115, %dma_wait3A_116] : memref<2600000x128xf32, #tpu.memory_space<hbm>> -> memref<2600000x128xf32, #tpu.memory_space<hbm>>
      tpu.wait_indirect_dma semaphore(%arg7 : memref<!tpu.dma_semaphore, #tpu.memory_space<semaphore_mem>>) src(%dma_wait3A_117 : memref<2600000x128xf32, #tpu.memory_space<hbm>>) dst(%dma_wait3A_111 : memref<128x128xf32, #tpu.memory_space<vmem>>)
      %mul3A_118 = arith.constant 512 : i32
      %mul3A_119 = arith.muli %select_n3A_39, %mul3A_118 : i32
      %mul3A_120 = arith.constant 128 : i32
      %mul3A_121 = arith.muli %select_n3A, %mul3A_120 : i32
      "tpu.region"() ({
        %run_scoped3A = tpu.sem_alloc : memref<!tpu.dma_semaphore, #tpu.memory_space<semaphore_mem>>
        %dma_start3A_122 = tpu.memref_slice %arg4[%mul3A_119, %mul3A_121] : memref<16384x3328xf32, #tpu.memory_space<hbm>> -> memref<512x128xf32, #tpu.memory_space<hbm>>
        %dma_start3A_123 = tpu.memref_slice %arg4[%mul3A_119, %mul3A_121] : memref<16384x3328xf32, #tpu.memory_space<hbm>> -> memref<512x128xf32, #tpu.memory_space<hbm>>
        tpu.enqueue_dma source(%arg6 : memref<512x128xf32, #tpu.memory_space<vmem>>) target(%dma_start3A_123 : memref<512x128xf32, #tpu.memory_space<hbm>>) target_semaphore(%run_scoped3A : memref<!tpu.dma_semaphore, #tpu.memory_space<semaphore_mem>>)
        %dma_wait3A_124 = tpu.memref_slice %arg4[%mul3A_119, %mul3A_121] : memref<16384x3328xf32, #tpu.memory_space<hbm>> -> memref<512x128xf32, #tpu.memory_space<hbm>>
        %dma_wait3A_125 = tpu.memref_slice %arg4[%mul3A_119, %mul3A_121] : memref<16384x3328xf32, #tpu.memory_space<hbm>> -> memref<512x128xf32, #tpu.memory_space<hbm>>
        tpu.wait_dma2 semaphore(%run_scoped3A : memref<!tpu.dma_semaphore, #tpu.memory_space<semaphore_mem>>) src(%arg6 : memref<512x128xf32, #tpu.memory_space<vmem>>) dst(%dma_wait3A_125 : memref<512x128xf32, #tpu.memory_space<hbm>>)
        tpu.yield
      }) : () -> ()
    }
    %scan3A_5 = arith.constant 26 : i32
    return
  }
}

module attributes {stable_mosaic.version = 14 : i64} {
  func.func @body(%arg0: i32, %arg1: memref<1024x3328xf32, #tpu.memory_space<vmem>>, %arg2: memref<3328x256xbf16, #tpu.memory_space<vmem>>, %arg3: memref<1x256xf32, #tpu.memory_space<vmem>>, %arg4: memref<256x16xf32, #tpu.memory_space<vmem>>, %arg5: memref<1x16xf32, #tpu.memory_space<vmem>>, %arg6: memref<16x16xf32, #tpu.memory_space<vmem>>, %arg7: memref<1x16xf32, #tpu.memory_space<vmem>>, %arg8: memref<1024x16xf32, #tpu.memory_space<vmem>>) attributes {dimension_semantics = [#tpu.dimension_semantics<arbitrary>], iteration_bounds = array<i64: 16>, scalar_prefetch = 0 : i64, scratch_operands = 0 : i64, tpu.core_type = #tpu.core_type<tc>, window_params = [{transform_indices = @transform_0, window_bounds = array<i64: 1024, 3328>}, {pipeline_mode = #tpu.pipeline_mode<synchronous>, transform_indices = @transform_1, window_bounds = array<i64: 3328, 256>}, {pipeline_mode = #tpu.pipeline_mode<synchronous>, transform_indices = @transform_2, window_bounds = array<i64: 1, 256>}, {pipeline_mode = #tpu.pipeline_mode<synchronous>, transform_indices = @transform_3, window_bounds = array<i64: 256, 16>}, {pipeline_mode = #tpu.pipeline_mode<synchronous>, transform_indices = @transform_4, window_bounds = array<i64: 1, 16>}, {pipeline_mode = #tpu.pipeline_mode<synchronous>, transform_indices = @transform_5, window_bounds = array<i64: 16, 16>}, {pipeline_mode = #tpu.pipeline_mode<synchronous>, transform_indices = @transform_6, window_bounds = array<i64: 1, 16>}, {transform_indices = @transform_7, window_bounds = array<i64: 1024, 16>}]} {
    %get3A = arith.constant 0 : index
    %get3A_0 = arith.constant 0 : index
    %get3A_1 = vector.load %arg1[%get3A, %get3A_0] : memref<1024x3328xf32, #tpu.memory_space<vmem>>, vector<1024x3328xf32>
    %convert_element_type3A = arith.truncf %get3A_1 : vector<1024x3328xf32> to vector<1024x3328xbf16>
    %get3A_2 = arith.constant 0 : index
    %get3A_3 = arith.constant 0 : index
    %get3A_4 = vector.load %arg2[%get3A_2, %get3A_3] : memref<3328x256xbf16, #tpu.memory_space<vmem>>, vector<3328x256xbf16>
    %dot_general3A = arith.constant dense<0.000000e+00> : vector<1024x256xf32>
    %dot_general3A_5 = tpu.matmul %convert_element_type3A, %get3A_4, %dot_general3A {dimension_numbers = #tpu.dot_dimension_numbers<[1], [0], [0], [1], [0, 0, 1, 1], [], []>, transpose_lhs_hint = false} : vector<1024x3328xbf16>, vector<3328x256xbf16>, vector<1024x256xf32> -> vector<1024x256xf32>
    %get3A_6 = arith.constant 0 : index
    %get3A_7 = arith.constant 0 : index
    %get3A_8 = vector.load %arg3[%get3A_6, %get3A_7] : memref<1x256xf32, #tpu.memory_space<vmem>>, vector<1x256xf32>
    %add3A = vector.broadcast %get3A_8 : vector<1x256xf32> to vector<1024x256xf32>
    %add3A_9 = arith.addf %dot_general3A_5, %add3A : vector<1024x256xf32>
    %max3A = arith.constant 0.000000e+00 : f32
    %max3A_10 = vector.broadcast %max3A : f32 to vector<1024x256xf32>
    %max3A_11 = arith.maximumf %add3A_9, %max3A_10 : vector<1024x256xf32>
    %get3A_12 = arith.constant 0 : index
    %get3A_13 = arith.constant 0 : index
    %get3A_14 = vector.load %arg4[%get3A_12, %get3A_13] : memref<256x16xf32, #tpu.memory_space<vmem>>, vector<256x16xf32>
    %dot_general3A_15 = arith.constant dense<0.000000e+00> : vector<1024x16xf32>
    %dot_general3A_16 = tpu.matmul %max3A_11, %get3A_14, %dot_general3A_15 {dimension_numbers = #tpu.dot_dimension_numbers<[1], [0], [0], [1], [0, 0, 1, 1], [], []>, transpose_lhs_hint = false} : vector<1024x256xf32>, vector<256x16xf32>, vector<1024x16xf32> -> vector<1024x16xf32>
    %get3A_17 = arith.constant 0 : index
    %get3A_18 = arith.constant 0 : index
    %get3A_19 = vector.load %arg5[%get3A_17, %get3A_18] : memref<1x16xf32, #tpu.memory_space<vmem>>, vector<1x16xf32>
    %add3A_20 = vector.broadcast %get3A_19 : vector<1x16xf32> to vector<1024x16xf32>
    %add3A_21 = arith.addf %dot_general3A_16, %add3A_20 : vector<1024x16xf32>
    %max3A_22 = arith.constant 0.000000e+00 : f32
    %max3A_23 = vector.broadcast %max3A_22 : f32 to vector<1024x16xf32>
    %max3A_24 = arith.maximumf %add3A_21, %max3A_23 : vector<1024x16xf32>
    %get3A_25 = arith.constant 0 : index
    %get3A_26 = arith.constant 0 : index
    %get3A_27 = vector.load %arg6[%get3A_25, %get3A_26] : memref<16x16xf32, #tpu.memory_space<vmem>>, vector<16x16xf32>
    %dot_general3A_28 = arith.constant dense<0.000000e+00> : vector<1024x16xf32>
    %dot_general3A_29 = tpu.matmul %max3A_24, %get3A_27, %dot_general3A_28 {dimension_numbers = #tpu.dot_dimension_numbers<[1], [0], [0], [1], [0, 0, 1, 1], [], []>, transpose_lhs_hint = false} : vector<1024x16xf32>, vector<16x16xf32>, vector<1024x16xf32> -> vector<1024x16xf32>
    %get3A_30 = arith.constant 0 : index
    %get3A_31 = arith.constant 0 : index
    %get3A_32 = vector.load %arg7[%get3A_30, %get3A_31] : memref<1x16xf32, #tpu.memory_space<vmem>>, vector<1x16xf32>
    %add3A_33 = vector.broadcast %get3A_32 : vector<1x16xf32> to vector<1024x16xf32>
    %add3A_34 = arith.addf %dot_general3A_29, %add3A_33 : vector<1024x16xf32>
    %swap3A = arith.constant 0 : index
    %swap3A_35 = arith.constant 0 : index
    %swap3A_36 = vector.load %arg8[%swap3A, %swap3A_35] : memref<1024x16xf32, #tpu.memory_space<vmem>>, vector<1024x16xf32>
    tpu.vector_store %arg8[%swap3A, %swap3A_35], %add3A_34 {strides = array<i32>} : memref<1024x16xf32, #tpu.memory_space<vmem>>, vector<1024x16xf32>,
    return
  }
  func.func @transform_0(%arg0: i32) -> (i32, i32) {
    %c0_i32 = arith.constant 0 : i32
    %c0_i32_0 = arith.constant 0 : i32
    return %arg0, %c0_i32 : i32, i32
  }
  func.func @transform_1(%arg0: i32) -> (i32, i32) {
    %c0_i32 = arith.constant 0 : i32
    %c0_i32_0 = arith.constant 0 : i32
    %c0_i32_1 = arith.constant 0 : i32
    return %c0_i32, %c0_i32_0 : i32, i32
  }
  func.func @transform_2(%arg0: i32) -> (i32, i32) {
    %c0_i32 = arith.constant 0 : i32
    %c0_i32_0 = arith.constant 0 : i32
    %c0_i32_1 = arith.constant 0 : i32
    return %c0_i32, %c0_i32_0 : i32, i32
  }
  func.func @transform_3(%arg0: i32) -> (i32, i32) {
    %c0_i32 = arith.constant 0 : i32
    %c0_i32_0 = arith.constant 0 : i32
    %c0_i32_1 = arith.constant 0 : i32
    return %c0_i32, %c0_i32_0 : i32, i32
  }
  func.func @transform_4(%arg0: i32) -> (i32, i32) {
    %c0_i32 = arith.constant 0 : i32
    %c0_i32_0 = arith.constant 0 : i32
    %c0_i32_1 = arith.constant 0 : i32
    return %c0_i32, %c0_i32_0 : i32, i32
  }
  func.func @transform_5(%arg0: i32) -> (i32, i32) {
    %c0_i32 = arith.constant 0 : i32
    %c0_i32_0 = arith.constant 0 : i32
    %c0_i32_1 = arith.constant 0 : i32
    return %c0_i32, %c0_i32_0 : i32, i32
  }
  func.func @transform_6(%arg0: i32) -> (i32, i32) {
    %c0_i32 = arith.constant 0 : i32
    %c0_i32_0 = arith.constant 0 : i32
    %c0_i32_1 = arith.constant 0 : i32
    return %c0_i32, %c0_i32_0 : i32, i32
  }
  func.func @transform_7(%arg0: i32) -> (i32, i32) {
    %c0_i32 = arith.constant 0 : i32
    %c0_i32_0 = arith.constant 0 : i32
    return %arg0, %c0_i32 : i32, i32
  }
}

</mosaic_0001>

<sc_bundles>
// kernel: kernel.4.cloned.1.call-start
scs
__scs_entry_jumppad:
0x0: {  	(pc) =	sbr.rel $0x88, $3  }
0x1: {  	(tag) =	ssettag $0x0;
	lr =	simm.s32 $0x1  }
0x2: {  	[smem:$0x3F80] =	sst lr;
	_ =	strace $0xD0000000  }
0x3: {  	_ = 	snop  }
0x4: {  	_ = 	snop  }
0x5: {  	_ = 	snop  }
0x6: {  	_ = 	snop  }
0x7: {  	_ = 	snop  }
__scs_overlays_trampoline_lowered:
0x8: {  	[smem:$0x3F8F] =	sst s0  }
0x9: {  	[smem:$0x3F90] =	sst s1  }
0xa: {  	[smem:$0x3F91] =	sst s2  }
0xb: {  	[smem:$0x3F92] =	sst s3  }
0xc: {  	[smem:$0x3F93] =	sst s4  }
0xd: {  	[smem:$0x3F94] =	sst s5  }
0xe: {  	[smem:$0x3F95] =	sst s6  }
0xf: {  	[smem:$0x3F96] =	sst s7  }
0x10: {  	[smem:$0x3F97] =	sst s8  }
0x11: {  	[smem:$0x3F98] =	sst s9;
	s0 =	simm.s32 @!p0 $0x0  }
0x12: {  	s1 =	sld [smem:$0x3F7E];
	s0 =	simm.s32 @p0 $0x1  }
0x13: {  	[smem:$0x3F99] =	sst s0;
	s0 =	simm.s32 @!p1 $0x0  }
0x14: {  	s2 =	sld [smem:$0x3F7D];
	s0 =	simm.s32 @p1 $0x1  }
0x15: {  	[smem:$0x3F9A] =	sst s0;
	s0 =	simm.s32 @!p2 $0x0  }
0x16: {  	s3 =	sld [smem:$0x3FDB];
	s0 =	simm.s32 @p2 $0x1  }
0x17: {  	s4 =	simm.s32 $0x1BF5;
	[smem:$0x3F9C] =	sst s0  }
0x18: {  	s0 =	sld [smem:$0x3F7F];
	_ =	swait.ge [sflag:s4], $0x0  }
0x19: {  	s7 =	sld [smem:$0x3F80]  }
0x1a: {  	s8 =	sadd.s32 $0xFFFFE003, lr  }
0x1b: {  	s9 =	sadd.s32 $0xFFFFFEF7, lr;
	s5 =	simm.s32 $0xFFFFFFFF;
	p2 =	slt.u32 s8, $0xFFFFF086  }
0x1c: {  	p1 =	slt.u32 s9, $0xF7A;
	s5 =	simm.s32 @!p2 $0x0  }
0x1d: {  	s5 =	simm.s32 @p1 $0x1;
	p0 =	seq.s32 s7, s2  }
0x1e: {  	s7 =	smul.u32 @!p0 $0xF7A, s2;
	p2 =	seq.s32 @!p0 s5, $0x0  }
0x1f: {  	s9 =	smul.u32 $0xF7A, s1;
	s8 =	simm.s32 @!p0 $0x1BF5;
	p2 =	por !p2, p0  }
0x20: {  	[sflag:s8] =	ssyncset.s32 @!p0 $0xFFFFF086;
	s6 =	sadd.s32 @!p0 s3, s7;
	s7 =	simm.s32 @!p0 $0x108  }
0x21: {  	s3 =	sadd.s32 s3, s9;
	s6 =	sadd.s32 @!p0 $0x88, s6;
	s7 =	simm.s32 @p2 $0x1082  }
0x22: {  	[simem:s7], [sflag:s8] =	dma.local @!p0 [hbm:s6], $0xF7A  }
0x23: {  	s9 =	sor.u32 $0xD0000000, s2;
	s6 =	simm.s32 $0x108;
	_ =	swait.ge @!p0 [sflag:s8], $0x0  }
0x24: {  	s3 =	sadd.s32 $0x88, s3;
	s6 =	simm.s32 @!p1 $0x1082;
	[sflag:s4] =	ssyncset.s32 $0xFFFFF086  }
0x25: {  	[simem:s6], [sflag:s4] =	dma.local [hbm:s3], $0xF7A  }
0x26: {  	[smem:$0x3F80] =	sst s1;
	(tag) =	ssettag s2;
	_ =	strace s9  }
0x27: {  	s1 =	sld [smem:$0x3F90]  }
0x28: {  	s2 =	sld [smem:$0x3F91]  }
0x29: {  	s4 =	sld [smem:$0x3F93]  }
0x2a: {  	p0 =	seq.s32 s5, $0x0;
	s5 =	sld [smem:$0x3F94]  }
0x2b: {  	s6 =	sld [smem:$0x3F95]  }
0x2c: {  	s7 =	sld [smem:$0x3F96]  }
0x2d: {  	s3 =	simm.s32 $0x108;
	s8 =	sld [smem:$0x3F97]  }
0x2e: {  	s3 =	simm.s32 @!p0 $0x1082;
	s9 =	sld [smem:$0x3F98]  }
0x2f: {  	lr =	sadd.s32 s0, s3;
	s0 =	sld [smem:$0x3F8F]  }
0x30: {  	s3 =	sld [smem:$0x3F92]  }
0x31: {  	[smem:$0x3F9B] =	sst s10  }
0x32: {  	s10 =	sld [smem:$0x3F99];
	_ =	sdelay $0x3  }
0x33: {  	p0 =	seq.s32 s10, $0x1;
	s10 =	sld [smem:$0x3F9B];
	_ =	sdelay $0x3  }
0x34: {  	[smem:$0x3F9B] =	sst s10  }
0x35: {  	s10 =	sld [smem:$0x3F9A];
	_ =	sdelay $0x3  }
0x36: {  	p1 =	seq.s32 s10, $0x1;
	s10 =	sld [smem:$0x3F9B];
	_ =	sdelay $0x3  }
0x37: {  	[smem:$0x3F9B] =	sst s10  }
0x38: {  	s10 =	sld [smem:$0x3F9C]  }
0x39: {  	_ = 	snop;
	(pc) =	sbr.ind lr, $3  }
0x3a: {  	_ = 	snop  }
0x3b: {  	_ = 	snop  }
0x3c: {  	p2 =	seq.s32 s10, $0x1;
	s10 =	sld [smem:$0x3F9B]  }
0x3d: {  	_ =	shalt  }
0x3e: {  	_ =	shalt  }
0x3f: {  	_ =	shalt  }
0x40: {  	_ =	shalt  }
0x41: {  	_ =	shalt  }
0x42: {  	_ =	shalt  }
0x43: {  	_ =	shalt  }
0x44: {  	_ =	shalt  }
0x45: {  	_ =	shalt  }
0x46: {  	_ =	shalt  }
0x47: {  	_ =	shalt  }
0x48: {  	_ =	shalt  }
0x49: {  	_ =	shalt  }
0x4a: {  	_ =	shalt  }
0x4b: {  	_ =	shalt  }
0x4c: {  	_ =	shalt  }
0x4d: {  	_ =	shalt  }
0x4e: {  	_ =	shalt  }
0x4f: {  	_ =	shalt  }
0x50: {  	_ =	shalt  }
0x51: {  	_ =	shalt  }
0x52: {  	_ =	shalt  }
0x53: {  	_ =	shalt  }
0x54: {  	_ =	shalt  }
0x55: {  	_ =	shalt  }
0x56: {  	_ =	shalt  }
0x57: {  	_ =	shalt  }
0x58: {  	_ =	shalt  }
0x59: {  	_ =	shalt  }
0x5a: {  	_ =	shalt  }
0x5b: {  	_ =	shalt  }
0x5c: {  	_ =	shalt  }
0x5d: {  	_ =	shalt  }
0x5e: {  	_ =	shalt  }
0x5f: {  	_ =	shalt  }
0x60: {  	_ =	shalt  }
0x61: {  	_ =	shalt  }
0x62: {  	_ =	shalt  }
0x63: {  	_ =	shalt  }
0x64: {  	_ =	shalt  }
0x65: {  	_ =	shalt  }
0x66: {  	_ =	shalt  }
0x67: {  	_ =	shalt  }
0x68: {  	_ =	shalt  }
0x69: {  	_ =	shalt  }
0x6a: {  	_ =	shalt  }
0x6b: {  	_ =	shalt  }
0x6c: {  	_ =	shalt  }
0x6d: {  	_ =	shalt  }
0x6e: {  	_ =	shalt  }
0x6f: {  	_ =	shalt  }
0x70: {  	_ =	shalt  }
0x71: {  	_ =	shalt  }
0x72: {  	_ =	shalt  }
0x73: {  	_ =	shalt  }
0x74: {  	_ =	shalt  }
0x75: {  	_ =	shalt  }
0x76: {  	_ =	shalt  }
0x77: {  	_ =	shalt  }
0x78: {  	_ =	shalt  }
0x79: {  	_ =	shalt  }
0x7a: {  	_ =	shalt  }
0x7b: {  	_ =	shalt  }
0x7c: {  	_ =	shalt  }
0x7d: {  	_ =	shalt  }
0x7e: {  	_ =	shalt  }
0x7f: {  	_ =	shalt  }
0x80: {  	_ =	shalt  }
0x81: {  	_ =	shalt  }
0x82: {  	_ =	shalt  }
0x83: {  	_ =	shalt  }
0x84: {  	_ =	shalt  }
0x85: {  	_ =	shalt  }
0x86: {  	_ =	shalt  }
0x87: {  	_ =	shalt  }
.Lfunc_end0:
.L_simem_size_0:
called_computation.1_lowered:
.L_overlay_start_0:
0x88: {  	s2 =	sld [smem:$0x3FD9]  }
0x89: {  	s3 =	sld [smem:$0x3FFE];
	_ =	sdelay $0x1  }
0x8a: {  	s1 =	srdreg.scid  }
0x8b: {  	s0 =	sand.u32 $0x1, s1  }
0x8c: {  	s16 =	sshll.u32 s0, $0xA;
	s2 =	sadd.s32 s3, s2  }
0x8d: {  	s2 =	sadd.s32 s2, s16  }
0x8e: {  	[smem:$0x3FA7] =	sst s2  }
0x8f: {  	_ = 	snop  }
0x90: {  	(tm) =	ssettm $0x1  }
0x91: {  	s17 =	sld [smem:$0x3FFB];
	_ =	sdelay $0x3  }
0x92: {  	_ =	strace s17  }
0x93: {  	s2 =	sld [smem:$0x3FFC];
	_ =	sdelay $0x3  }
0x94: {  	_ =	strace s2  }
0x95: {  	s2 =	sld [smem:$0x3FFD];
	_ =	sdelay $0x3  }
0x96: {  	_ =	strace s2  }
0x97: {  	_ =	strace $0x8FFFFFFF  }
0x98: {  	s18 =	sld [smem:$0x3FDB];
	_ =	sdelay $0x1  }
0x99: {  	s19 =	simm.s32 $_scs_section_size  }
0x9a: {  	s4 =	simm.s32 $_size__tile_overlayer_lowered;
	s5 =	simm.s32 $_tile_overlayer_lowered  }
0x9b: {  	s22 =	simm.s32 $0x1BFF;
	s21 =	sshll.u32 s5, $0x1;
	s2 =	sadd.s32 s19, s18  }
0x9c: {  	s6 =	simm.s32 $0x0;
	s20 =	sshll.u32 s4, $0x1;
	s4 =	sadd.s32 s21, s2  }
0x9d: {  	[timem:s6], [sflag:s22] =	dma.local [hbm:s4], s20  }
0x9e: {  	_ =	swait.ge [sflag:s22], s20  }
0x9f: {  	s3 =	ssub.s32 $0x0, s20;
	[sflag:s22] =	ssyncset.done $0x0  }
0xa0: {  	[sflag:s22] =	ssyncadd.s32 s3;
	_ =	sdelay $0x1  }
0xa1: {  	s23 =	simm.s32 $0x1B8B  }
0xa2: {  	_ =	swait.ge [sflag:s23], $0x1  }
0xa3: {  	[sflag:s23] =	ssyncset.done $0x0  }
0xa4: {  	s25 =	simm.s32 $0x1B8E;
	s24 =	sld [smem:$0x3FFE];
	[sflag:s23] =	ssyncadd.s32 $0xFFFFFFFF  }
0xa5: {  	s26 =	simm.s32 $execute0_lowered;
	[smem:$0x3FD2] =	sst s25  }
0xa6: {  	s4 =	sshll.u32 s26, $0x1;
	_ =	strace $0x80000049;
	[dreg:$0x1] =	wrdreg $0xFFFFFFFF  }
0xa7: {  	s28 =	simm.s32 $_size_execute0_lowered;
	s2 =	sadd.s32 s2, s4;
	[dreg:$0x0] =	wrdreg $0x0  }
0xa8: {  	s4 =	sshll.u32 s28, $0x1;
	[dreg:$0x2] =	wrdreg s2  }
0xa9: {  	[dreg:$0x3] =	wrdreg s4  }
0xaa: {  	[dreg:$0x4] =	wrdreg $0xC0  }
0xab: {  	_ =	task [dreg:s6], $0x5FFFF  }
0xac: {  	[dreg:$0x1] =	wrdreg $0xFFFFFFFF  }
0xad: {  	[dreg:$0x0] =	wrdreg $0x60  }
0xae: {  	[dreg:$0x2] =	wrdreg s24  }
0xaf: {  	[dreg:$0x3] =	wrdreg $0x9  }
0xb0: {  	_ =	task.clear_ibuf [dreg:s6], $0x4FFFF;
	_ =	strace $0x90000049  }
0xb1: {  	s29 =	simm.s32 $0x9;
	_ =	strace $0x8000004B  }
0xb2: {  	_ =	swait.ge [sflag:s29], $0x1  }
0xb3: {  	[sflag:s29] =	ssyncadd.s32 $0xFFFFFFFF  }
0xb4: {  	_ =	strace $0x9000004B  }
0xb5: {  	_ =	sfence  }
0xb6: {  	s30 =	sld [smem:$0x0];
	_ =	sdelay $0x2  }
0xb7: {  	s31 =	sshll.u32 s1, $0xD;
	s1 =	sshrl.u32 s1, $0x2  }
0xb8: {  	s3 =	sand.u32 $0x4000, s31;
	s1 =	sadd.s32 s1, s30  }
0xb9: {  	s0 =	sor.u32 s3, s0;
	s1 =	sshll.u32 s1, $0x11  }
0xba: {  	s0 =	sor.u32 s1, s0  }
0xbb: {  	s0 =	sadd.s32 $0x8F2B, s0  }
0xbc: {  	[sflag:s0] =	ssyncadd.remote.s32 $0x1  }
0xbd: {  	_ =	sfence.sel $0xFFFF  }
0xbe: {  	[dreg:$0x0] =	wrdreg $0xFFFFFFFF;
	(pc) =	sbr.abs _section_cstart, $3  }
0xbf: {  	[dreg:$0x1] =	wrdreg $0xFFFFFFFF  }
0xc0: {  	_ =	task.clear_ibuf [dreg:s6], $0x2FFFF;
	_ =	strace $0x9FFFFFFF  }
0xc1: {  	(tm) =	ssettm $0x7FFFFFFF  }
tec
execute0_lowered:
.L_overlay_start_1:
0x0: {  	(tag) =	ssettag $0x1  }
0x1: {  	s5 =	rddreg [dreg:$0x0]  }
0x2: {  	s0 =	rddreg [dreg:$0x1];
	s3 =	srdreg.scid  }
0x3: {  	s1 =	stileid.u32;
	s2 =	simm.s32 $0x0;
	s12 =	simm.s32 $0x4200  }
0x4: {  	s13 =	simm.s32 $0x100;
	s14 =	simm.s32 $0x8200;
	s15 =	simm.s32 $0x180  }
0x5: {  	s16 =	simm.s32 $0xC200;
	s17 =	simm.s32 $0x1;
	s18 =	simm.s32 $0x400  }
0x6: {  	s19 =	simm.s32 $0x6800;
	s20 =	simm.s32 $0x0;
	s7 =	smul.u32 $0x680, s1  }
0x7: {  	s4 =	sand.u32 $0x1, s3;
	[smem:$0x7FF] =	sst s2;
	s9 =	smul.u32 $0xD00, s1  }
0x8: {  	s3 =	sadd.s32 $0x27BDC00, s5;
	s8 =	smul.u32 $0x340, s4;
	s6 =	ssub.s32 $0x2, s4  }
0x9: {  	_ =	strace $0x8000004A;
	s11 =	smul.u32 $0x680, s4;
	s10 =	sshrl.u32 s6, $0x1  }
0xa: {  	s4 =	sadd.s32 $0x27B0C00, s5;
	s5 =	sadd.s32 $0x4800, s5;
	s6 =	ssub.s32 s6, s10  }
0xb: {  	s7 =	sadd.s32 s8, s7;
	s8 =	sadd.s32 s11, s9;
	s9 =	simm.s32 $0x2  }
0xc: {  	s10 =	simm.s32 $0x80;
	s11 =	simm.s32 $0x200;
	s6 =	smax.u32 s6, $0x1  }
.LBB2_1:
0xd: {  	s21 =	sadd.s32 s8, s4  }
0xe: {  	[tilespmem:s2], [sflag:$0x2] =	stream.linear.gather [hbm4b:s21+s2], $0x200, $0x38;
	[tilespmem:$0x10200] =	vst v63  }
0xf: {  	_ =	swait.ge [sflag:s9], $0x200  }
0x10: {  	[sflag:s9] =	ssyncset.done $0x0  }
0x11: {  	[sflag:s9] =	ssyncadd.s32 $0xFFFFFE00  }
0x12: {  	[tilespmem:s11], [sflag:$0x1] =	stream.indirect.gather [hbm4b:s3+s10], $0x80, s2, s10, $0xb8;
	[tilespmem:$0x10200] =	vst v63  }
0x13: {  	_ = 	snop  }
0x14: {  	[tilespmem:s12], [sflag:$0x1] =	stream.indirect.gather [hbm4b:s3+s10], $0x80, s10, s10, $0xb8;
	[tilespmem:$0x10200] =	vst v63  }
0x15: {  	_ = 	snop  }
0x16: {  	[tilespmem:s14], [sflag:$0x1] =	stream.indirect.gather [hbm4b:s3+s10], $0x80, s13, s10, $0xb8;
	[tilespmem:$0x10200] =	vst v63  }
0x17: {  	_ = 	snop  }
0x18: {  	[tilespmem:s16], [sflag:$0x1] =	stream.indirect.gather [hbm4b:s3+s10], $0x80, s15, s10, $0xb8;
	[tilespmem:$0x10200] =	vst v63  }
0x19: {  	_ =	swait.ge [sflag:s17], $0x4000  }
0x1a: {  	[sflag:s17] =	ssyncset.done $0x0  }
0x1b: {  	[sflag:s17] =	ssyncadd.s32 $0xFFFFC000  }
0x1c: {  	_ =	swait.ge [sflag:s17], $0x4000  }
0x1d: {  	[sflag:s17] =	ssyncset.done $0x0  }
0x1e: {  	[sflag:s17] =	ssyncadd.s32 $0xFFFFC000  }
0x1f: {  	s31 =	sand.u32 $0x7C0, s8;
	_ =	swait.ge [sflag:s17], $0x4000  }
0x20: {  	s22 =	sadd.s32 $0x0, s7;
	s21 =	smul.u32 $0x6800, s31;
	[sflag:s17] =	ssyncset.done $0x0  }
0x21: {  	s22 =	sand.u32 $0x7FFFFC00, s22;
	[sflag:s17] =	ssyncadd.s32 $0xFFFFC000  }
0x22: {  	s21 =	sadd.s32 s22, s21;
	_ =	swait.ge [sflag:s17], $0x4000  }
0x23: {  	s21 =	sshrl.u32 s21, $0x3;
	[sflag:s17] =	ssyncset.done $0x0  }
0x24: {  	s21 =	sadd.s32 s5, s21;
	[sflag:s17] =	ssyncadd.s32 $0xFFFFC000  }
0x25: {  	[hbm4b:s21+s18] =	stream.strided.scatter [tilespmem:s11], [sflag:$0x2], $0x10000, s19, s18, $0x38;
	[tilespmem:$0x10200] =	vst v63  }
0x26: {  	s23 =	simm.s32 $0x40;
	_ =	swait.ge [sflag:s9], $0x10000  }
0x27: {  	s22 =	sadd.s32 $0x40, s8;
	s21 =	simm.s32 $0x20;
	[sflag:s9] =	ssyncset.done $0x0  }
.LBB2_2:
0x28: {  	p0 =	sne.s32 s23, $0x320;
	s24 =	sadd.s32 s22, s4;
	[sflag:s9] =	ssyncadd.s32 $0xFFFF0000  }
0x29: {  	[tilespmem:s2], [sflag:$0x2] =	stream.linear.gather [hbm4b:s24+s2], $0x200, $0x38;
	[tilespmem:$0x10200] =	vst v63  }
0x2a: {  	s24 =	smov.u32 s23;
	s23 =	sadd.s32 $0x20, s23;
	_ =	swait.ge [sflag:s9], $0x200  }
0x2b: {  	[sflag:s9] =	ssyncset.done $0x0  }
0x2c: {  	[sflag:s9] =	ssyncadd.s32 $0xFFFFFE00  }
0x2d: {  	[tilespmem:s11], [sflag:$0x1] =	stream.indirect.gather [hbm4b:s3+s10], $0x80, s2, s10, $0xb8;
	[tilespmem:$0x10200] =	vst v63  }
0x2e: {  	_ = 	snop  }
0x2f: {  	[tilespmem:s12], [sflag:$0x1] =	stream.indirect.gather [hbm4b:s3+s10], $0x80, s10, s10, $0xb8;
	[tilespmem:$0x10200] =	vst v63  }
0x30: {  	_ = 	snop  }
0x31: {  	[tilespmem:s14], [sflag:$0x1] =	stream.indirect.gather [hbm4b:s3+s10], $0x80, s13, s10, $0xb8;
	[tilespmem:$0x10200] =	vst v63  }
0x32: {  	_ = 	snop  }
0x33: {  	[tilespmem:s16], [sflag:$0x1] =	stream.indirect.gather [hbm4b:s3+s10], $0x80, s15, s10, $0xb8;
	[tilespmem:$0x10200] =	vst v63  }
0x34: {  	_ =	swait.ge [sflag:s17], $0x4000  }
0x35: {  	[sflag:s17] =	ssyncset.done $0x0  }
0x36: {  	[sflag:s17] =	ssyncadd.s32 $0xFFFFC000  }
0x37: {  	_ =	swait.ge [sflag:s17], $0x4000  }
0x38: {  	[sflag:s17] =	ssyncset.done $0x0  }
0x39: {  	[sflag:s17] =	ssyncadd.s32 $0xFFFFC000  }
0x3a: {  	s25 =	sand.u32 $0x7C0, s22;
	_ =	swait.ge [sflag:s17], $0x4000  }
0x3b: {  	s21 =	sadd.s32 s21, s7;
	s25 =	smul.u32 $0x6800, s25;
	[sflag:s17] =	ssyncset.done $0x0  }
0x3c: {  	s26 =	sand.u32 $0x7FFFFC00, s21;
	s21 =	smov.u32 s24;
	[sflag:s17] =	ssyncadd.s32 $0xFFFFC000  }
0x3d: {  	s24 =	sadd.s32 s26, s25;
	_ =	swait.ge [sflag:s17], $0x4000  }
.Ltmp0:
0x3e: {  	s24 =	sshrl.u32 s24, $0x3;
	[sflag:s17] =	ssyncset.done $0x0;
	(pc) =	sbr.rel @p0 .LBB2_2-.Ltmp0, $4  }
0x3f: {  	s24 =	sadd.s32 s5, s24;
	[sflag:s17] =	ssyncadd.s32 $0xFFFFC000  }
0x40: {  	[hbm4b:s24+s18] =	stream.strided.scatter [tilespmem:s11], [sflag:$0x2], $0x10000, s19, s18, $0x38;
	[tilespmem:$0x10200] =	vst v63  }
0x41: {  	_ =	swait.ge [sflag:s9], $0x10000  }
0x42: {  	s22 =	sadd.s32 $0x40, s22;
	[sflag:s9] =	ssyncset.done $0x0  }
0x43: {  	s23 =	sadd.s32 s22, s4;
	[sflag:s9] =	ssyncadd.s32 $0xFFFF0000  }
0x44: {  	[tilespmem:s2], [sflag:$0x2] =	stream.linear.gather [hbm4b:s23+s2], $0x200, $0x38;
	[tilespmem:$0x10200] =	vst v63  }
0x45: {  	_ =	swait.ge [sflag:s9], $0x200  }
0x46: {  	[sflag:s9] =	ssyncset.done $0x0  }
0x47: {  	[sflag:s9] =	ssyncadd.s32 $0xFFFFFE00  }
0x48: {  	[tilespmem:s11], [sflag:$0x1] =	stream.indirect.gather [hbm4b:s3+s10], $0x80, s2, s10, $0xb8;
	[tilespmem:$0x10200] =	vst v63  }
0x49: {  	_ = 	snop  }
0x4a: {  	[tilespmem:s12], [sflag:$0x1] =	stream.indirect.gather [hbm4b:s3+s10], $0x80, s10, s10, $0xb8;
	[tilespmem:$0x10200] =	vst v63  }
0x4b: {  	_ = 	snop  }
0x4c: {  	[tilespmem:s14], [sflag:$0x1] =	stream.indirect.gather [hbm4b:s3+s10], $0x80, s13, s10, $0xb8;
	[tilespmem:$0x10200] =	vst v63  }
0x4d: {  	_ = 	snop  }
0x4e: {  	[tilespmem:s16], [sflag:$0x1] =	stream.indirect.gather [hbm4b:s3+s10], $0x80, s15, s10, $0xb8;
	[tilespmem:$0x10200] =	vst v63  }
0x4f: {  	_ =	swait.ge [sflag:s17], $0x4000  }
0x50: {  	[sflag:s17] =	ssyncset.done $0x0  }
0x51: {  	[sflag:s17] =	ssyncadd.s32 $0xFFFFC000  }
0x52: {  	_ =	swait.ge [sflag:s17], $0x4000  }
0x53: {  	[sflag:s17] =	ssyncset.done $0x0  }
0x54: {  	[sflag:s17] =	ssyncadd.s32 $0xFFFFC000  }
0x55: {  	s31 =	sand.u32 $0x7C0, s22;
	_ =	swait.ge [sflag:s17], $0x4000  }
0x56: {  	s21 =	sadd.s32 s21, s7;
	s22 =	smul.u32 $0x6800, s31;
	[sflag:s17] =	ssyncset.done $0x0  }
0x57: {  	s21 =	sand.u32 $0x7FFFFC00, s21;
	[sflag:s17] =	ssyncadd.s32 $0xFFFFC000  }
0x58: {  	s20 =	sadd.s32 $0x1, s20;
	s21 =	sadd.s32 s21, s22;
	_ =	swait.ge [sflag:s17], $0x4000  }
0x59: {  	p0 =	sne.s32 s20, s6;
	s21 =	sshrl.u32 s21, $0x3;
	[sflag:s17] =	ssyncset.done $0x0  }
.Ltmp1:
0x5a: {  	s21 =	sadd.s32 s5, s21;
	[sflag:s17] =	ssyncadd.s32 $0xFFFFC000;
	(pc) =	sbr.rel @p0 .LBB2_1-.Ltmp1, $4  }
0x5b: {  	[hbm4b:s21+s18] =	stream.strided.scatter [tilespmem:s11], [sflag:$0x2], $0x10000, s19, s18, $0x38;
	[tilespmem:$0x10200] =	vst v63  }
0x5c: {  	_ =	swait.ge [sflag:s9], $0x10000  }
0x5d: {  	[sflag:s9] =	ssyncset.done $0x0  }
0x5e: {  	[sflag:s9] =	ssyncadd.s32 $0xFFFF0000  }
0x5f: {  	_ =	sfence.sel $0x180000  }
0x60: {  	[bflag:$0x0] =	sbarrier.arrive $0xFFFF  }
0x61: {  	p0 =	sne.s32 s1, $0x0;
	_ =	strace $0x9000004A  }
0x62: {  	s0 =	sadd.s32 @!p0 $0x100000, s0;
	[bflag:$0x2] =	sbarrier.arrive $0xFFFF  }
0x63: {  	[sflag:s0] =	ssyncadd.tile.s32 @!p0 $0x1;
	_ =	shalt  }
.Lfunc_end2:
_tile_overlayer_lowered:
.L_overlay_start_2:
0x64: {  	(tag) =	ssettag $0x2  }
0x65: {  	s0 =	rddreg [dreg:$0x0];
	s2 =	stileid.u32  }
0x66: {  	s1 =	rddreg [dreg:$0x1];
	p0 =	sne.s32 s2, $0x0  }
0x67: {  	s3 =	rddreg [dreg:$0x2];
	[bflag:$0x3] =	sbarrier.arrive $0xFFFF;
	s2 =	simm.s32 @!p0 $0x1C02  }
0x68: {  	[timem:s3], [sflag:s2] =	dma.local @!p0 [hbm:s0], s1  }
0x69: {  	s0 =	simm.s32 @!p0 $0x2  }
0x6a: {  	_ =	swait.ge @!p0 [sflag:s0], s1  }
0x6b: {  	s1 =	ssub.s32 @!p0 $0x0, s1;
	[sflag:s0] =	ssyncset.done @!p0 $0x0  }
0x6c: {  	[sflag:s0] =	ssyncadd.s32 @!p0 s1  }
0x6d: {  	[bflag:$0x3] =	sbarrier.arrive $0xFFFF  }
0x6e: {  	_ =	shalt  }

// kernel: sparse-core-data-format-call.cloned.1.call-start
scs
called_computation_lowered:
.L_overlay_start_0:
0x0: {  	s2 =	sld [smem:$0x3FD9]  }
0x1: {  	s3 =	sld [smem:$0x3FFE];
	_ =	sdelay $0x1  }
0x2: {  	s1 =	srdreg.scid  }
0x3: {  	s0 =	sand.u32 $0x1, s1  }
0x4: {  	s18 =	sshll.u32 s0, $0xA;
	s2 =	sadd.s32 s3, s2  }
0x5: {  	s2 =	sadd.s32 s2, s18  }
0x6: {  	[smem:$0x3FA7] =	sst s2  }
0x7: {  	_ = 	snop  }
0x8: {  	s2 =	sld [smem:$0x3FAF];
	(tm) =	ssettm $0x1  }
0x9: {  	s19 =	sld [smem:$0x3FFB];
	_ =	sdelay $0x3  }
0xa: {  	_ =	strace s19  }
0xb: {  	s3 =	sld [smem:$0x3FFC];
	_ =	sdelay $0x3  }
0xc: {  	_ =	strace s3  }
0xd: {  	s3 =	sld [smem:$0x3FFD];
	_ =	sdelay $0x3  }
0xe: {  	_ =	strace s3  }
0xf: {  	_ =	strace $0x8FFFFFFF  }
0x10: {  	s20 =	sld [smem:$0x3FDB];
	_ =	sdelay $0x1  }
0x11: {  	s4 =	simm.s32 $_scs_section_size  }
0x12: {  	s5 =	simm.s32 $_size__tile_overlayer_lowered;
	s6 =	simm.s32 $_tile_overlayer_lowered  }
0x13: {  	s23 =	simm.s32 $0x1BFF;
	s22 =	sshll.u32 s6, $0x1;
	s3 =	sadd.s32 s4, s20  }
0x14: {  	s7 =	simm.s32 $0x0;
	s21 =	sshll.u32 s5, $0x1;
	s5 =	sadd.s32 s22, s3  }
0x15: {  	[timem:s7], [sflag:s23] =	dma.local [hbm:s5], s21  }
0x16: {  	_ =	swait.ge [sflag:s23], s21  }
0x17: {  	s4 =	ssub.s32 $0x0, s21;
	[sflag:s23] =	ssyncset.done $0x0  }
0x18: {  	[sflag:s23] =	ssyncadd.s32 s4;
	_ =	sdelay $0x1  }
0x19: {  	s24 =	simm.s32 $0x1B8B  }
0x1a: {  	_ =	swait.ge [sflag:s24], $0x1  }
0x1b: {  	[sflag:s24] =	ssyncset.done $0x0  }
0x1c: {  	s26 =	simm.s32 $0x1B8E;
	s25 =	sld [smem:$0x3FFE];
	[sflag:s24] =	ssyncadd.s32 $0xFFFFFFFF  }
0x1d: {  	s27 =	simm.s32 $execute0_lowered;
	[smem:$0x3FD2] =	sst s26  }
0x1e: {  	s5 =	sshll.u32 s27, $0x1;
	_ =	strace $0x80000046;
	[dreg:$0x1] =	wrdreg $0xFFFFFFFF  }
0x1f: {  	s28 =	simm.s32 $_size_execute0_lowered;
	s3 =	sadd.s32 s3, s5;
	[dreg:$0x0] =	wrdreg $0x0  }
0x20: {  	s5 =	sshll.u32 s28, $0x1;
	[dreg:$0x2] =	wrdreg s3  }
0x21: {  	[dreg:$0x3] =	wrdreg s5  }
0x22: {  	[dreg:$0x4] =	wrdreg $0xC0  }
0x23: {  	_ =	task [dreg:s7], $0x5FFFF  }
0x24: {  	[dreg:$0x1] =	wrdreg $0xFFFFFFFF  }
0x25: {  	[dreg:$0x0] =	wrdreg $0x60  }
0x26: {  	[dreg:$0x2] =	wrdreg s2  }
0x27: {  	[dreg:$0x3] =	wrdreg s25  }
0x28: {  	[dreg:$0x4] =	wrdreg $0x9  }
0x29: {  	_ =	task.clear_ibuf [dreg:s7], $0x5FFFF;
	_ =	strace $0x90000046  }
0x2a: {  	s29 =	simm.s32 $0x9;
	_ =	strace $0x80000048  }
0x2b: {  	_ =	swait.ge [sflag:s29], $0x1  }
0x2c: {  	[sflag:s29] =	ssyncadd.s32 $0xFFFFFFFF  }
0x2d: {  	_ =	strace $0x90000048  }
0x2e: {  	_ =	sfence  }
0x2f: {  	s30 =	sld [smem:$0x0];
	_ =	sdelay $0x2  }
0x30: {  	s31 =	sshll.u32 s1, $0xD;
	s1 =	sshrl.u32 s1, $0x2  }
0x31: {  	s3 =	sand.u32 $0x4000, s31;
	s1 =	sadd.s32 s1, s30  }
0x32: {  	s0 =	sor.u32 s3, s0;
	s1 =	sshll.u32 s1, $0x11  }
0x33: {  	s0 =	sor.u32 s1, s0  }
0x34: {  	s0 =	sadd.s32 $0x8F2B, s0  }
0x35: {  	[sflag:s0] =	ssyncadd.remote.s32 $0x1  }
0x36: {  	_ =	sfence.sel $0xFFFF  }
0x37: {  	[dreg:$0x0] =	wrdreg $0xFFFFFFFF;
	(pc) =	sbr.abs _section_cstart, $3  }
0x38: {  	[dreg:$0x1] =	wrdreg $0xFFFFFFFF  }
0x39: {  	_ =	task.clear_ibuf [dreg:s7], $0x2FFFF;
	_ =	strace $0x9FFFFFFF  }
0x3a: {  	(tm) =	ssettm $0x7FFFFFFF  }
0x3b: {  	_ =	shalt  }
tec
execute0_lowered:
.L_overlay_start_1:
0x0: {  	(tag) =	ssettag $0x1  }
0x1: {  	s2 =	rddreg [dreg:$0x0]  }
0x2: {  	s0 =	srdreg.scid;
	s5 =	rddreg [dreg:$0x1]  }
0x3: {  	s31 =	simm.s32 $0x2;
	s16 =	simm.s32 $0x0;
	p0 =	por $0x0, $0x0  }
0x4: {  	s8 =	simm.s32 $0x80;
	s17 =	simm.s32 $0x0;
	s1 =	sshll.u32 s0, $0x4  }
0x5: {  	s18 =	simm.s32 $0x0;
	s0 =	stileid.u32;
	s1 =	sand.u32 $0x10, s1  }
0x6: {  	s9 =	simm.s32 $0x0;
	s10 =	simm.s32 $0x0;
	s1 =	sor.u32 s0, s1  }
0x7: {  	s11 =	simm.s32 $0x0;
	s13 =	simm.s32 $0x0;
	s3 =	sshll.u32 s1, $0x8  }
.Ltmp0:
0x8: {  	s14 =	simm.s32 $0x0;
	s4 =	ssub.s32 $0x18600, s3;
	(pc) =	sbr.rel .LBB1_1-.Ltmp0, $4  }
0x9: {  	s15 =	simm.s32 $0x0;
	s1 =	rddreg [dreg:$0x2];
	s6 =	sshrl.u32 s4, $0xD  }
0xa: {  	_ =	strace $0x80000047;
	s4 =	simm.s32 $0x1;
	s7 =	smul.u32 $0x1A, s6  }
0xb: {  	s5 =	sadd.s32 $0x4800, s5;
	s12 =	smov.u32 s3;
	[sflag:s4] =	ssyncpa.u1 $0x0  }
0xc: {  	[sflag:s31] =	ssyncpa.u1 $0x0;
	s6 =	sadd.s32 $0x1A, s7;
	s7 =	sadd.s32 $0x1B, s7  }
.LBB1_5:
0xd: {  	p1 =	slt.u32 s15, $0x2  }
0xe: {  	s19 =	smov.u32 s18;
	p2 =	sgt.s32 @!p1 s18, $0x19  }
0xf: {  	s20 =	sshra.s32 @!p1 s18, $0x1F;
	p3 =	sgt.s32 @!p1 s16, $0x185A0;
	p4 =	sgt.s32 @!p1 s17, $0x60  }
0x10: {  	s21 =	sshra.s32 @!p1 s17, $0x1F;
	p2 =	por !p2, p1;
	s18 =	sand.u32 @!p1 s20, s18  }
0x11: {  	p4 =	por !p4, p1;
	s20 =	smov.u32 s17;
	s19 =	simm.s32 @p2 $0x19  }
0x12: {  	s17 =	sand.u32 @!p1 s21, s17;
	s20 =	simm.s32 @p4 $0x60;
	s18 =	ssub.s32 @!p1 s19, s18  }
0x13: {  	p3 =	por !p3, p1;
	s17 =	ssub.s32 @!p1 s20, s17;
	s19 =	sadd.s32 @!p1 $0xFFFFFFE7, s18  }
0x14: {  	s20 =	sshra.s32 @!p1 s16, $0x1F;
	s18 =	ssub.s32 @!p1 $0x1A, s18;
	p2 =	sgt.s32 @!p1 s19, $0x0  }
0x15: {  	s19 =	smov.u32 s16;
	s16 =	sand.u32 @!p1 s20, s16;
	s20 =	sadd.s32 @!p1 $0xFFFFFFA0, s17  }
0x16: {  	s17 =	ssub.s32 @!p1 $0x80, s17;
	s19 =	simm.s32 @p3 $0x185A0;
	p2 =	por !p2, p1  }
0x17: {  	s18 =	simm.s32 @!p2 $0x0;
	s16 =	ssub.s32 @!p1 s19, s16;
	p2 =	sgt.s32 @!p1 s20, $0x1F  }
0x18: {  	s20 =	smov.u32 s13;
	s19 =	sadd.s32 @!p1 $0xFFFE7A60, s16;
	p2 =	por !p2, p1  }
0x19: {  	s16 =	ssub.s32 @!p1 $0x186A0, s16;
	s17 =	simm.s32 @!p2 $0x0;
	p2 =	sgt.s32 @!p1 s19, $0xFF  }
0x1a: {  	s19 =	sadd.s32 $0x2000, s12;
	p2 =	por !p2, p1;
	s17 =	smul.u32 @!p1 s18, s17  }
0x1b: {  	s18 =	sadd.s32 $0x20, s13;
	s16 =	simm.s32 @!p2 $0x0;
	p2 =	sgt.s32 s19, $0x1869F  }
0x1c: {  	s16 =	smul.u32 @!p1 s16, s17;
	s20 =	smov.u32 @p2 s18  }
0x1d: {  	s19 =	smov.u32 @p2 s3;
	s17 =	simm.s32 $0x1;
	p2 =	sgt.s32 s20, $0x1F  }
0x1e: {  	s17 =	simm.s32 @!p2 $0x0  }
0x1f: {  	p0 =	por !p0, !p0;
	s23 =	sadd.s32 s17, s14  }
0x20: {  	s21 =	simm.s32 @!p1 $0x2;
	s20 =	simm.s32 @p2 $0x0;
	p2 =	sgt.s32 s23, $0x19  }
0x21: {  	s18 =	smov.u32 s11;
	s23 =	simm.s32 @p2 $0x0;
	p2 =	sne.s32 s15, s7  }
.Ltmp1:
0x22: {  	s11 =	smov.u32 s14;
	s16 =	sand.u32 @!p1 $0x3FFFFFFF, s16;
	(pc) =	sbr.rel @!p2 .LBB1_6-.Ltmp1, $4  }
0x23: {  	_ =	swait.ge @!p1 [sflag:s21], s16;
	s22 =	ssub.s32 @!p1 $0x0, s16;
	s16 =	smov.u32 s9  }
0x24: {  	s17 =	smov.u32 s10;
	s9 =	smov.u32 s12;
	s10 =	smov.u32 s13  }
0x25: {  	s12 =	smov.u32 s19;
	s13 =	smov.u32 s20;
	[sflag:s21] =	ssyncset.done @!p1 $0x0  }
0x26: {  	s15 =	sadd.s32 $0x1, s15;
	[sflag:s21] =	ssyncadd.s32 @!p1 s22;
	s14 =	smov.u32 s23  }
.LBB1_1:
0x27: {  	p1 =	sge.u32 s15, s6  }
0x28: {  	s19 =	sshrl.u32 @!p1 s13, $0x3  }
0x29: {  	s20 =	sshll.u32 @!p1 s12, $0x3;
	s19 =	smul.u32 @!p1 $0xC3800, s19  }
0x2a: {  	s21 =	sshll.u32 @!p1 s13, $0x7;
	s20 =	sand.u32 @!p1 $0xFFFFFC00, s20  }
0x2b: {  	s19 =	sadd.s32 @!p1 s19, s20;
	s20 =	sand.u32 @!p1 $0x380, s21  }
0x2c: {  	s21 =	sand.u32 @!p1 $0x7F, s12;
	s19 =	sor.u32 @!p1 s20, s19  }
0x2d: {  	s20 =	sor.u32 @!p1 s21, s19  }
0x2e: {  	s21 =	smulhi.u32 @!p1 $0xA79C7B17, s20  }
0x2f: {  	s19 =	smulhi.u32 @!p1 $0xA79C7B17, s19  }
0x30: {  	s21 =	sshrl.u32 @!p1 s21, $0x10  }
0x31: {  	s19 =	sshrl.u32 @!p1 s19, $0x10;
	s21 =	smul.u32 @!p1 $0x18700, s21  }
0x32: {  	s22 =	sxor.u32 @!p1 $0xFFFFFFFF, s15;
	s23 =	smul.u32 @!p1 $0x61C00, s14;
	s19 =	sand.u32 @!p1 $0x1F, s19  }
0x33: {  	s22 =	sshll.u32 @!p1 s22, $0xD;
	s19 =	smul.u32 @!p1 $0x30E0, s19;
	s20 =	ssub.s32 @!p1 s20, s21  }
0x34: {  	s21 =	sand.u32 @!p1 $0x2000, s22;
	s22 =	sadd.s32 @!p1 s2, s23;
	s23 =	sand.u32 @!p1 $0x7, s20  }
0x35: {  	s20 =	sshrl.u32 @!p1 s20, $0x3;
	s19 =	sadd.s32 @!p1 s19, s22;
	s22 =	sshll.u32 @!p1 s23, $0x12  }
0x36: {  	s19 =	sadd.s32 @!p1 s20, s19;
	s20 =	sor.u32 @!p1 $0x800, s22;
	s22 =	simm.s32 @!p1 $0xC3800  }
0x37: {  	[tilespmem:s21], [sflag:$0x1] =	stream.strided.gather @!p1 [hbm4b:s19+s20], $0x2000, s22, s20, $0x38;
	[tilespmem:$0x8200] =	vst v63  }
0x38: {  	p1 =	seq.s32 s15, $0x0  }
0x39: {  	p2 =	sge.u32 @!p1 s15, s7  }
0x3a: {  	p1 =	por p1, p2  }
.Ltmp2:
0x3b: {  	_ = 	snop;
	(pc) =	sbr.rel @p1 .LBB1_5-.Ltmp2, $1  }
0x3c: {  	_ =	sdelay $0x3  }
0x3d: {  	s21 =	simm.s32 $0x0  }
0x3e: {  	s22 =	sand.u32 $0x1800, s21;
	s23 =	sand.u32 $0x380, s21  }
0x3f: {  	s19 =	sand.u32 $0x1, s15;
	s23 =	sor.u32 s23, s22  }
0x40: {  	_ =	swait.ge [sflag:s4], $0x2000;
	s20 =	sshll.u32 s19, $0xD;
	s22 =	sand.u32 $0x1B00, s23  }
0x41: {  	[sflag:s4] =	ssyncset.done $0x0;
	s21 =	sand.u32 $0x80, s21;
	s22 =	sadd.s32 s22, s20  }
0x42: {  	[sflag:s4] =	ssyncadd.s32 $0xFFFFE000;
	s25 =	sadd.s32 s21, s22  }
0x43: {  	v4 =	vld [tilespmem:s25+$0x400]  }
0x44: {  	s24 =	simm.s32 $0x1;
	v5 =	vld [tilespmem:s25+$0x0]  }
0x45: {  	s24 =	simm.s32 @!p0 $0x0;
	v6 =	vld [tilespmem:s25+$0x10]  }
0x46: {  	v0 =	vmov s20;
	s31 =	smul.u32 $0x8400, s24;
	v7 =	vld [tilespmem:s25+$0x20]  }
0x47: {  	v9 =	vld [tilespmem:s25+$0x30]  }
0x48: {  	s21 =	sshrl.u32 s31, $0x2;
	v10 =	vld [tilespmem:s25+$0x40]  }
0x49: {  	s21 =	sor.u32 $0x4000, s21;
	v11 =	vld [tilespmem:s25+$0x50]  }
0x4a: {  	v8 =	vld [tilespmem:s25+$0x60];
	s22 =	sadd.s32 $0x0, s21  }
0x4b: {  	v1 =	vld.idx.msk [tilespmem:v0+s23+$0x410 ss:$0x1], $0xffff;
	[tilespmem:s22+$0x1080 ss:$0x21] =	vst.msk $0xffff, v4  }
0x4c: {  	v2 =	vld.idx.msk [tilespmem:v0+s23+$0x420 ss:$0x1], $0xffff;
	[tilespmem:s22+$0x0 ss:$0x21] =	vst.msk $0xffff, v5  }
0x4d: {  	v3 =	vld.idx.msk [tilespmem:v0+s23+$0x430 ss:$0x1], $0xffff;
	[tilespmem:s22+$0x210 ss:$0x21] =	vst.msk $0xffff, v6  }
0x4e: {  	s19 =	smul.u32 $0x8400, s19;
	[tilespmem:s22+$0x420 ss:$0x21] =	vst.msk $0xffff, v7;
	v7 =	vld [tilespmem:s25+$0x70]  }
0x4f: {  	s26 =	simm.s32 $0x80;
	s27 =	simm.s32 $0x8;
	[tilespmem:s22+$0x630 ss:$0x21] =	vst.msk $0xffff, v9;
	v4 =	vld.idx.msk [tilespmem:v0+s23+$0x440 ss:$0x1], $0xffff  }
0x50: {  	s29 =	sand.u32 $0x380, s26;
	s19 =	sshrl.u32 s19, $0x2;
	[tilespmem:s22+$0x840 ss:$0x21] =	vst.msk $0xffff, v10;
	v5 =	vld.idx.msk [tilespmem:v0+s23+$0x450 ss:$0x1], $0xffff;
	s25 =	simm.s32 $0x100  }
0x51: {  	s24 =	simm.s32 $0x4;
	s19 =	sor.u32 $0x4000, s19;
	[tilespmem:s22+$0xA50 ss:$0x21] =	vst.msk $0xffff, v11;
	v6 =	vld.idx.msk [tilespmem:v0+s23+$0x460 ss:$0x1], $0xffff;
	s28 =	sand.u32 $0x1800, s25  }
.LBB1_3:
0x52: {  	p1 =	sne.s32 s27, $0x7C;
	[tilespmem:s22+$0xC60 ss:$0x21] =	vst.msk $0xffff, v8;
	v8 =	vld.idx.msk [tilespmem:v0+s23+$0x470 ss:$0x1], $0xffff;
	s23 =	sor.u32 s29, s28  }
0x53: {  	s28 =	sand.u32 $0x1B00, s23;
	v9 =	vld.idx.msk [tilespmem:v0+s23+$0x410 ss:$0x1], $0xffff;
	[tilespmem:s22+$0xE70 ss:$0x21] =	vst.msk $0xffff, v7  }
0x54: {  	s29 =	sand.u32 $0x80, s26;
	s28 =	sadd.s32 s28, s20;
	v7 =	vld.idx.msk [tilespmem:v0+s23+$0x420 ss:$0x1], $0xffff;
	[tilespmem:s22+$0x1290 ss:$0x21] =	vst.msk $0xffff, v1  }
0x55: {  	s28 =	sadd.s32 s29, s28;
	v10 =	vld.idx.msk [tilespmem:v0+s23+$0x430 ss:$0x1], $0xffff;
	[tilespmem:s22+$0x14A0 ss:$0x21] =	vst.msk $0xffff, v2  }
0x56: {  	v11 =	vld [tilespmem:s28+$0x400];
	[tilespmem:s22+$0x16B0 ss:$0x21] =	vst.msk $0xffff, v3  }
0x57: {  	v12 =	vld [tilespmem:s28+$0x0];
	[tilespmem:s22+$0x18C0 ss:$0x21] =	vst.msk $0xffff, v4  }
0x58: {  	v4 =	vld [tilespmem:s28+$0x10];
	[tilespmem:s22+$0x1AD0 ss:$0x21] =	vst.msk $0xffff, v5  }
0x59: {  	s29 =	sshra.s32 s24, $0x2;
	s24 =	smov.u32 s27;
	v1 =	vmov v9;
	v5 =	vld [tilespmem:s28+$0x20];
	[tilespmem:s22+$0x1CE0 ss:$0x21] =	vst.msk $0xffff, v6  }
0x5a: {  	v2 =	vmov v7;
	v6 =	vld [tilespmem:s28+$0x30];
	[tilespmem:s22+$0x1EF0 ss:$0x21] =	vst.msk $0xffff, v8;
	s22 =	sadd.s32 s29, s21  }
0x5b: {  	v3 =	vmov v10;
	v9 =	vld [tilespmem:s28+$0x40];
	[tilespmem:s22+$0x1080 ss:$0x21] =	vst.msk $0xffff, v11  }
0x5c: {  	[tilespmem:s22+$0x0 ss:$0x21] =	vst.msk $0xffff, v12;
	v10 =	vld [tilespmem:s28+$0x50]  }
.Ltmp3:
0x5d: {  	[tilespmem:s22+$0x210 ss:$0x21] =	vst.msk $0xffff, v4;
	v8 =	vld [tilespmem:s28+$0x60];
	(pc) =	sbr.rel @p1 .LBB1_3-.Ltmp3, $4  }
0x5e: {  	[tilespmem:s22+$0x420 ss:$0x21] =	vst.msk $0xffff, v5;
	v7 =	vld [tilespmem:s28+$0x70]  }
0x5f: {  	[tilespmem:s22+$0x630 ss:$0x21] =	vst.msk $0xffff, v6;
	v4 =	vld.idx.msk [tilespmem:v0+s23+$0x440 ss:$0x1], $0xffff  }
0x60: {  	s26 =	sadd.s32 $0x80, s26;
	s25 =	sadd.s32 $0x100, s25;
	[tilespmem:s22+$0x840 ss:$0x21] =	vst.msk $0xffff, v9;
	v5 =	vld.idx.msk [tilespmem:v0+s23+$0x450 ss:$0x1], $0xffff  }
0x61: {  	s27 =	sadd.s32 $0x4, s27;
	s29 =	sand.u32 $0x380, s26;
	s28 =	sand.u32 $0x1800, s25;
	[tilespmem:s22+$0xA50 ss:$0x21] =	vst.msk $0xffff, v10;
	v6 =	vld.idx.msk [tilespmem:v0+s23+$0x460 ss:$0x1], $0xffff  }
0x62: {  	_ =	sdelay $0x3  }
0x63: {  	s25 =	sor.u32 s29, s28;
	v47 =	vld.idx.msk [tilespmem:v0+s23+$0x470 ss:$0x1], $0xffff  }
0x64: {  	[tilespmem:s22+$0xC60 ss:$0x21] =	vst.msk $0xffff, v8;
	v57 =	vld.idx.msk [tilespmem:v0+s25+$0x410 ss:$0x1], $0xffff  }
0x65: {  	[tilespmem:s22+$0x1290 ss:$0x21] =	vst.msk $0xffff, v1;
	v58 =	vld.idx.msk [tilespmem:v0+s25+$0x420 ss:$0x1], $0xffff  }
0x66: {  	[tilespmem:s22+$0x14A0 ss:$0x21] =	vst.msk $0xffff, v2;
	v59 =	vld.idx.msk [tilespmem:v0+s25+$0x430 ss:$0x1], $0xffff  }
0x67: {  	[tilespmem:s22+$0x16B0 ss:$0x21] =	vst.msk $0xffff, v3;
	v60 =	vld.idx.msk [tilespmem:v0+s25+$0x440 ss:$0x1], $0xffff  }
0x68: {  	s26 =	sand.u32 $0x80, s26;
	s27 =	sand.u32 $0x1B00, s25;
	[tilespmem:s22+$0xE70 ss:$0x21] =	vst.msk $0xffff, v7;
	v61 =	vld.idx.msk [tilespmem:v0+s25+$0x450 ss:$0x1], $0xffff  }
0x69: {  	s29 =	sshll.u32 s10, $0x3;
	s24 =	sshra.s32 s24, $0x2;
	v62 =	vld.idx.msk [tilespmem:v0+s25+$0x460 ss:$0x1], $0xffff;
	s20 =	sadd.s32 s27, s20;
	[tilespmem:s22+$0x18C0 ss:$0x21] =	vst.msk $0xffff, v4  }
0x6a: {  	p1 =	sgt.s32 s11, $0x19;
	s31 =	sand.u32 $0xFFFFFC00, s29;
	v63 =	vld.idx.msk [tilespmem:v0+s25+$0x470 ss:$0x1], $0xffff;
	s23 =	sadd.s32 s26, s20;
	[tilespmem:s22+$0x1AD0 ss:$0x21] =	vst.msk $0xffff, v5  }
0x6b: {  	p2 =	sgt.s32 s10, $0x60;
	s29 =	sshra.s32 s11, $0x1F;
	s25 =	smul.u32 $0x186A00, s11;
	v48 =	vld [tilespmem:s23+$0x400];
	[tilespmem:s22+$0x1CE0 ss:$0x21] =	vst.msk $0xffff, v6  }
0x6c: {  	s26 =	sshll.u32 s9, $0x7;
	s20 =	sadd.s32 s24, s21;
	s24 =	sand.u32 s29, s11;
	v49 =	vld [tilespmem:s23+$0x0];
	[tilespmem:s22+$0x1EF0 ss:$0x21] =	vst.msk $0xffff, v47  }
0x6d: {  	s29 =	sshra.s32 s9, $0x1F;
	v50 =	vld [tilespmem:s23+$0x10];
	s30 =	sand.u32 $0xFFFFFC00, s26;
	s28 =	sand.u32 $0x380, s26;
	[tilespmem:s20+$0x1290 ss:$0x21] =	vst.msk $0xffff, v57  }
0x6e: {  	v51 =	vld [tilespmem:s23+$0x20];
	s27 =	sadd.s32 s31, s30;
	s22 =	smov.u32 s11;
	s31 =	sshra.s32 s10, $0x1F;
	[tilespmem:s20+$0x14A0 ss:$0x21] =	vst.msk $0xffff, v58  }
0x6f: {  	v52 =	vld [tilespmem:s23+$0x30];
	s21 =	sor.u32 s28, s27;
	s22 =	simm.s32 @!p1 $0x19;
	s28 =	sand.u32 s31, s10;
	[tilespmem:s20+$0x16B0 ss:$0x21] =	vst.msk $0xffff, v59  }
0x70: {  	v53 =	vld [tilespmem:s23+$0x40];
	s27 =	smov.u32 s9;
	[tilespmem:s20+$0x18C0 ss:$0x21] =	vst.msk $0xffff, v60;
	s21 =	sshrl.u32 s21, $0x7;
	s22 =	ssub.s32 s22, s24  }
0x71: {  	v54 =	vld [tilespmem:s23+$0x50];
	[tilespmem:s20+$0x1AD0 ss:$0x21] =	vst.msk $0xffff, v61;
	s24 =	smov.u32 s10;
	s26 =	smulhi.u32 $0x14F8B59, s21;
	s30 =	sadd.s32 $0xFFFFFFE7, s22  }
0x72: {  	v55 =	vld [tilespmem:s23+$0x60];
	[tilespmem:s20+$0x1CE0 ss:$0x21] =	vst.msk $0xffff, v62;
	s24 =	simm.s32 @!p2 $0x60;
	p2 =	sgt.s32 s9, $0x185A0;
	s22 =	ssub.s32 $0x1A, s22  }
0x73: {  	v56 =	vld [tilespmem:s23+$0x70];
	[tilespmem:s20+$0x1EF0 ss:$0x21] =	vst.msk $0xffff, v63;
	p1 =	sgt.s32 s30, $0x0;
	s23 =	ssub.s32 s24, s28;
	s27 =	simm.s32 @!p2 $0x185A0  }
0x74: {  	[tilespmem:s20+$0x1080 ss:$0x21] =	vst.msk $0xffff, v48;
	s24 =	sand.u32 s29, s9;
	s28 =	sand.u32 $0x7, s10;
	s26 =	sshrl.u32 s26, $0x9  }
0x75: {  	[tilespmem:s20+$0x0 ss:$0x21] =	vst.msk $0xffff, v49;
	s24 =	ssub.s32 s27, s24;
	s30 =	sadd.s32 $0xFFFFFFA0, s23;
	s22 =	simm.s32 @p1 $0x0  }
0x76: {  	[tilespmem:s20+$0x210 ss:$0x21] =	vst.msk $0xffff, v50;
	s23 =	ssub.s32 $0x80, s23;
	s27 =	sshrl.u32 s10, $0x3;
	p1 =	sgt.s32 s30, $0x1F  }
0x77: {  	[tilespmem:s20+$0x420 ss:$0x21] =	vst.msk $0xffff, v51;
	s26 =	smul.u32 $0x186A0, s26;
	s31 =	sadd.s32 $0xFFFE7A60, s24;
	s23 =	simm.s32 @p1 $0x0  }
0x78: {  	[tilespmem:s20+$0x630 ss:$0x21] =	vst.msk $0xffff, v52;
	s24 =	ssub.s32 $0x186A0, s24;
	p1 =	sgt.s32 s31, $0xFF;
	s22 =	smul.u32 s22, s23  }
.Ltmp4:
0x79: {  	[tilespmem:s20+$0x840 ss:$0x21] =	vst.msk $0xffff, v53;
	s24 =	simm.s32 @p1 $0x0;
	s21 =	ssub.s32 s21, s26;
	(pc) =	sbr.rel .LBB1_5-.Ltmp4, $4  }
0x7a: {  	[tilespmem:s20+$0xA50 ss:$0x21] =	vst.msk $0xffff, v54;
	s23 =	sadd.s32 s5, s25;
	s22 =	smul.u32 s24, s22;
	s24 =	sand.u32 $0xF, s27  }
0x7b: {  	[tilespmem:s20+$0xC60 ss:$0x21] =	vst.msk $0xffff, v55;
	s29 =	sshll.u32 s28, $0x12;
	s21 =	sshll.u32 s21, $0x4;
	s23 =	sadd.s32 s24, s23  }
0x7c: {  	[tilespmem:s20+$0xE70 ss:$0x21] =	vst.msk $0xffff, v56;
	s31 =	sor.u32 $0x20, s29;
	s30 =	sand.u32 $0x3FFFFFFF, s22;
	s21 =	sadd.s32 s21, s23  }
0x7d: {  	[hbm4b:s21+s31] =	stream.strided.scatter [tilespmem:s19], [sflag:$0x2], s30, s8, s31, $0x10;
	[tilespmem:$0x8200] =	vst v63  }
.LBB1_6:
0x7e: {  	_ =	sfence.sel $0x180000  }
0x7f: {  	s2 =	simm.s32 $0x1;
	[bflag:$0x0] =	sbarrier.arrive $0xFFFF  }
0x80: {  	s31 =	simm.s32 $0x2;
	[sflag:s2] =	ssyncpa.u1 $0x1  }
0x81: {  	[sflag:s31] =	ssyncpa.u1 $0x1  }
0x82: {  	p0 =	sne.s32 s0, $0x0;
	_ =	strace $0x90000047  }
0x83: {  	s0 =	sadd.s32 @!p0 $0x100000, s1;
	[bflag:$0x2] =	sbarrier.arrive $0xFFFF  }
0x84: {  	[sflag:s0] =	ssyncadd.tile.s32 @!p0 $0x1;
	_ =	shalt  }
.Lfunc_end1:
_tile_overlayer_lowered:
.L_overlay_start_2:
0x85: {  	(tag) =	ssettag $0x2  }
0x86: {  	s0 =	rddreg [dreg:$0x0];
	s2 =	stileid.u32  }
0x87: {  	s1 =	rddreg [dreg:$0x1];
	p0 =	sne.s32 s2, $0x0  }
0x88: {  	s3 =	rddreg [dreg:$0x2];
	[bflag:$0x3] =	sbarrier.arrive $0xFFFF;
	s2 =	simm.s32 @!p0 $0x1C01  }
0x89: {  	[timem:s3], [sflag:s2] =	dma.local @!p0 [hbm:s0], s1  }
0x8a: {  	s0 =	simm.s32 @!p0 $0x1  }
0x8b: {  	_ =	swait.ge @!p0 [sflag:s0], s1  }
0x8c: {  	s1 =	ssub.s32 @!p0 $0x0, s1;
	[sflag:s0] =	ssyncset.done @!p0 $0x0  }
0x8d: {  	[sflag:s0] =	ssyncadd.s32 @!p0 s1  }
0x8e: {  	[bflag:$0x3] =	sbarrier.arrive $0xFFFF  }
0x8f: {  	_ =	shalt  }

</sc_bundles>
